<compile_context>
chip_gen: v7x
topology: tpu7x:2x2x1
jax: 0.10.2.dev20260603
libtpu: 0.0.44.dev20260713+nightly
codegen_flags: <defaults>
</compile_context>

<pallas_src>
import functools

import jax
import jax.numpy as jnp
from jax import lax
from jax.experimental import pallas as pl
from jax.experimental.pallas import tpu as pltpu
from jax.experimental.pallas import tpu_sc as plsc

_LANES = 16


def _make_lookup(B: int, D: int):
    info = plsc.get_sparse_core_info()
    NS = info.num_subcores
    NW = info.num_cores * NS
    assert B % (8 * NW) == 0
    b_per_w = B // NW
    mesh = plsc.VectorSubcoreMesh(core_axis_name="c", subcore_axis_name="s")

    @functools.partial(
        pl.kernel,
        mesh=mesh,
        out_type=jax.ShapeDtypeStruct((B, D), jnp.float32),
        scratch_types=[
            pltpu.VMEM((b_per_w,), jnp.int32),
            pltpu.VMEM((b_per_w, D), jnp.float32),
            pltpu.VMEM_SHARED((2 * NS, D), jnp.float32),
            pltpu.SemaphoreType.DMA,
            pltpu.SemaphoreType.DMA,
            pltpu.SemaphoreType.DMA,
        ],
    )
    def lookup(
        idx_hbm, table_hbm, out_hbm, idx_v, rows_v, shared_tab, isem, gsem, wsem
    ):
        sid = lax.axis_index("s")
        wid = sid * info.num_cores + lax.axis_index("c")
        base = wid * b_per_w

        icopy = pltpu.make_async_copy(
            idx_hbm.at[pl.ds(base, b_per_w)], idx_v, isem
        )
        icopy.start()
        tcopy = pltpu.make_async_copy(
            table_hbm, shared_tab.at[pl.ds(2 * sid, 2)], gsem
        )
        tcopy.start()
        icopy.wait()

        off = jnp.full((_LANES,), 2 * sid, dtype=jnp.int32)
        for j in range(b_per_w // _LANES):
            sl = pl.ds(j * _LANES, _LANES)
            idx_v[sl] = idx_v[sl] + off
        tcopy.wait()

        if b_per_w == 512:
            bounds = [0, 64, 192, 320, 448, b_per_w]
        else:
            q = b_per_w // 4
            bounds = [0, q, 2 * q, 3 * q, b_per_w]
        pieces = list(zip(bounds[:-1], bounds[1:]))
        gathers = [
            pltpu.make_async_copy(
                shared_tab.at[idx_v.at[pl.ds(lo, hi - lo)]],
                rows_v.at[pl.ds(lo, hi - lo)],
                gsem,
            )
            for lo, hi in pieces
        ]
        writes = [
            pltpu.make_async_copy(
                rows_v.at[pl.ds(lo, hi - lo)],
                out_hbm.at[pl.ds(base + lo, hi - lo)],
                wsem,
            )
            for lo, hi in pieces
        ]
        gathers[0].start()
        for k in range(len(pieces)):
            if k + 1 < len(pieces):
                gathers[k + 1].start()
            gathers[k].wait()
            writes[k].start()
        for k in range(len(pieces)):
            writes[k].wait()

    return lookup


def kernel(indices, table):
    B = indices.shape[0]
    D = table.shape[1]
    return _make_lookup(B, D)(indices, table)

# --- scband reference (transcript-rebuilt; emitter-appended) ---
"""Pipeline reference for scband-criterion-embedding-34720515621385 (READ-ONLY COPY).

The authoritative reference and input builder live on the scoring server;
editing this copy changes nothing except your own understanding.
"""

import jax, jax.numpy as jnp
import numpy as np


def setup_inputs(seed: int = 0) -> dict:
    key = jax.random.key(seed)
    k1, k2 = jax.random.split(key)
    indices = jax.random.randint(k1, (16384,), 0, 2, dtype=jnp.int64 if jax.config.jax_enable_x64 else jnp.int32).astype(jnp.int32)
    # embedding table: nn.Embedding(2, embed_dim=128), init normal(mean=0, std=1)
    table = jax.random.normal(k2, (2, 128), dtype=jnp.float32)
    return {"indices": indices, "table": table}


def reference(indices, table):
    # Faithful translation: the torch module maps criterion strings to indices
    # {power: 0, coverage: 1}, then does an embedding lookup. We accept the
    # integer indices directly (string->int mapping is host-side preprocessing).
    embeddings = jnp.take(table, indices, axis=0)  # (B, embed_dim)
    return embeddings

if __name__ == "__main__":
    import jax
    _d = setup_inputs()
    print(jax.jit(kernel)(*tuple(_d.values())))

</pallas_src>

<mosaic_0001>
#map = affine_map<(d0, d1) -> (0)>
#map1 = affine_map<(d0, d1) -> (0, 0)>
module attributes {stable_mosaic.version = 14 : i64} {
  func.func @lookup(%arg0: i32, %arg1: i32, %arg2: memref<16384xi32, #tpu.memory_space<hbm>>, %arg3: memref<2x128xf32, #tpu.memory_space<hbm>>, %arg4: memref<16384x128xf32, #tpu.memory_space<hbm>>, %arg5: memref<512xi32, #tpu.memory_space<vmem>>, %arg6: memref<512x128xf32, #tpu.memory_space<vmem>>, %arg7: memref<32x128xf32, #tpu.memory_space<vmem_shared>>, %arg8: memref<!tpu.dma_semaphore, #tpu.memory_space<semaphore_mem>>, %arg9: memref<!tpu.dma_semaphore, #tpu.memory_space<semaphore_mem>>, %arg10: memref<!tpu.dma_semaphore, #tpu.memory_space<semaphore_mem>>) attributes {dimension_semantics = [#tpu.dimension_semantics<core_parallel>, #tpu.dimension_semantics<subcore_parallel>], iteration_bounds = array<i64: 2, 16>, scalar_prefetch = 0 : i64, scratch_operands = 6 : i64, tpu.core_type = #tpu.core_type<sc_vector_subcore>, window_params = [{transform_indices = #map}, {transform_indices = #map1}, {transform_indices = #map1}]} {
    %mul3A = arith.constant 2 : i32
    %mul3A_0 = arith.muli %arg1, %mul3A : i32
    %add3A = arith.addi %mul3A_0, %arg0 : i32
    %mul3A_1 = arith.constant 512 : i32
    %mul3A_2 = arith.muli %add3A, %mul3A_1 : i32
    %dma_start3A = tpu.memref_slice %arg2[%mul3A_2] : memref<16384xi32, #tpu.memory_space<hbm>> -> memref<512xi32, #tpu.memory_space<hbm>>
    %dma_start3A_3 = tpu.memref_slice %arg2[%mul3A_2] : memref<16384xi32, #tpu.memory_space<hbm>> -> memref<512xi32, #tpu.memory_space<hbm>>
    tpu.enqueue_dma source(%dma_start3A_3 : memref<512xi32, #tpu.memory_space<hbm>>) target(%arg5 : memref<512xi32, #tpu.memory_space<vmem>>) target_semaphore(%arg8 : memref<!tpu.dma_semaphore, #tpu.memory_space<semaphore_mem>>)
    %mul3A_4 = arith.constant 2 : i32
    %mul3A_5 = arith.muli %mul3A_4, %arg1 : i32
    %dma_start3A_6 = arith.constant 0 : i32
    %dma_start3A_7 = tpu.memref_slice %arg7[%mul3A_5, %dma_start3A_6] : memref<32x128xf32, #tpu.memory_space<vmem_shared>> -> memref<2x128xf32, #tpu.memory_space<vmem_shared>>
    tpu.enqueue_dma source(%arg3 : memref<2x128xf32, #tpu.memory_space<hbm>>) target(%dma_start3A_7 : memref<2x128xf32, #tpu.memory_space<vmem_shared>>) target_semaphore(%arg9 : memref<!tpu.dma_semaphore, #tpu.memory_space<semaphore_mem>>)
    %dma_wait3A = tpu.memref_slice %arg2[%mul3A_2] : memref<16384xi32, #tpu.memory_space<hbm>> -> memref<512xi32, #tpu.memory_space<hbm>>
    %dma_wait3A_8 = tpu.memref_slice %arg2[%mul3A_2] : memref<16384xi32, #tpu.memory_space<hbm>> -> memref<512xi32, #tpu.memory_space<hbm>>
    tpu.wait_dma2 semaphore(%arg8 : memref<!tpu.dma_semaphore, #tpu.memory_space<semaphore_mem>>) src(%dma_wait3A_8 : memref<512xi32, #tpu.memory_space<hbm>>) dst(%arg5 : memref<512xi32, #tpu.memory_space<vmem>>)
    %mul3A_9 = arith.constant 2 : i32
    %mul3A_10 = arith.muli %mul3A_9, %arg1 : i32
    %broadcast_in_dim3A = vector.broadcast %mul3A_10 : i32 to vector<16xi32>
    %get3A = arith.constant 0 : index
    %get3A_11 = tpu.vector_load %arg5[%get3A] {strides = array<i32>} : memref<512xi32, #tpu.memory_space<vmem>>, vector<16xi32>,
    %get3A_12 = vector.shape_cast %get3A_11 : vector<16xi32> to vector<16xi32>
    %add3A_13 = arith.addi %get3A_12, %broadcast_in_dim3A : vector<16xi32>
    %swap3A = arith.constant 0 : index
    %swap3A_14 = tpu.vector_load %arg5[%swap3A] {strides = array<i32>} : memref<512xi32, #tpu.memory_space<vmem>>, vector<16xi32>,
    %swap3A_15 = vector.shape_cast %swap3A_14 : vector<16xi32> to vector<16xi32>
    %swap3A_16 = vector.shape_cast %add3A_13 : vector<16xi32> to vector<16xi32>
    tpu.vector_store %arg5[%swap3A], %swap3A_16 {strides = array<i32>} : memref<512xi32, #tpu.memory_space<vmem>>, vector<16xi32>,
    %get3A_17 = arith.constant 16 : index
    %get3A_18 = tpu.vector_load %arg5[%get3A_17] {strides = array<i32>} : memref<512xi32, #tpu.memory_space<vmem>>, vector<16xi32>,
    %get3A_19 = vector.shape_cast %get3A_18 : vector<16xi32> to vector<16xi32>
    %add3A_20 = arith.addi %get3A_19, %broadcast_in_dim3A : vector<16xi32>
    %swap3A_21 = arith.constant 16 : index
    %swap3A_22 = tpu.vector_load %arg5[%swap3A_21] {strides = array<i32>} : memref<512xi32, #tpu.memory_space<vmem>>, vector<16xi32>,
    %swap3A_23 = vector.shape_cast %swap3A_22 : vector<16xi32> to vector<16xi32>
    %swap3A_24 = vector.shape_cast %add3A_20 : vector<16xi32> to vector<16xi32>
    tpu.vector_store %arg5[%swap3A_21], %swap3A_24 {strides = array<i32>} : memref<512xi32, #tpu.memory_space<vmem>>, vector<16xi32>,
    %get3A_25 = arith.constant 32 : index
    %get3A_26 = tpu.vector_load %arg5[%get3A_25] {strides = array<i32>} : memref<512xi32, #tpu.memory_space<vmem>>, vector<16xi32>,
    %get3A_27 = vector.shape_cast %get3A_26 : vector<16xi32> to vector<16xi32>
    %add3A_28 = arith.addi %get3A_27, %broadcast_in_dim3A : vector<16xi32>
    %swap3A_29 = arith.constant 32 : index
    %swap3A_30 = tpu.vector_load %arg5[%swap3A_29] {strides = array<i32>} : memref<512xi32, #tpu.memory_space<vmem>>, vector<16xi32>,
    %swap3A_31 = vector.shape_cast %swap3A_30 : vector<16xi32> to vector<16xi32>
    %swap3A_32 = vector.shape_cast %add3A_28 : vector<16xi32> to vector<16xi32>
    tpu.vector_store %arg5[%swap3A_29], %swap3A_32 {strides = array<i32>} : memref<512xi32, #tpu.memory_space<vmem>>, vector<16xi32>,
    %get3A_33 = arith.constant 48 : index
    %get3A_34 = tpu.vector_load %arg5[%get3A_33] {strides = array<i32>} : memref<512xi32, #tpu.memory_space<vmem>>, vector<16xi32>,
    %get3A_35 = vector.shape_cast %get3A_34 : vector<16xi32> to vector<16xi32>
    %add3A_36 = arith.addi %get3A_35, %broadcast_in_dim3A : vector<16xi32>
    %swap3A_37 = arith.constant 48 : index
    %swap3A_38 = tpu.vector_load %arg5[%swap3A_37] {strides = array<i32>} : memref<512xi32, #tpu.memory_space<vmem>>, vector<16xi32>,
    %swap3A_39 = vector.shape_cast %swap3A_38 : vector<16xi32> to vector<16xi32>
    %swap3A_40 = vector.shape_cast %add3A_36 : vector<16xi32> to vector<16xi32>
    tpu.vector_store %arg5[%swap3A_37], %swap3A_40 {strides = array<i32>} : memref<512xi32, #tpu.memory_space<vmem>>, vector<16xi32>,
    %get3A_41 = arith.constant 64 : index
    %get3A_42 = tpu.vector_load %arg5[%get3A_41] {strides = array<i32>} : memref<512xi32, #tpu.memory_space<vmem>>, vector<16xi32>,
    %get3A_43 = vector.shape_cast %get3A_42 : vector<16xi32> to vector<16xi32>
    %add3A_44 = arith.addi %get3A_43, %broadcast_in_dim3A : vector<16xi32>
    %swap3A_45 = arith.constant 64 : index
    %swap3A_46 = tpu.vector_load %arg5[%swap3A_45] {strides = array<i32>} : memref<512xi32, #tpu.memory_space<vmem>>, vector<16xi32>,
    %swap3A_47 = vector.shape_cast %swap3A_46 : vector<16xi32> to vector<16xi32>
    %swap3A_48 = vector.shape_cast %add3A_44 : vector<16xi32> to vector<16xi32>
    tpu.vector_store %arg5[%swap3A_45], %swap3A_48 {strides = array<i32>} : memref<512xi32, #tpu.memory_space<vmem>>, vector<16xi32>,
    %get3A_49 = arith.constant 80 : index
    %get3A_50 = tpu.vector_load %arg5[%get3A_49] {strides = array<i32>} : memref<512xi32, #tpu.memory_space<vmem>>, vector<16xi32>,
    %get3A_51 = vector.shape_cast %get3A_50 : vector<16xi32> to vector<16xi32>
    %add3A_52 = arith.addi %get3A_51, %broadcast_in_dim3A : vector<16xi32>
    %swap3A_53 = arith.constant 80 : index
    %swap3A_54 = tpu.vector_load %arg5[%swap3A_53] {strides = array<i32>} : memref<512xi32, #tpu.memory_space<vmem>>, vector<16xi32>,
    %swap3A_55 = vector.shape_cast %swap3A_54 : vector<16xi32> to vector<16xi32>
    %swap3A_56 = vector.shape_cast %add3A_52 : vector<16xi32> to vector<16xi32>
    tpu.vector_store %arg5[%swap3A_53], %swap3A_56 {strides = array<i32>} : memref<512xi32, #tpu.memory_space<vmem>>, vector<16xi32>,
    %get3A_57 = arith.constant 96 : index
    %get3A_58 = tpu.vector_load %arg5[%get3A_57] {strides = array<i32>} : memref<512xi32, #tpu.memory_space<vmem>>, vector<16xi32>,
    %get3A_59 = vector.shape_cast %get3A_58 : vector<16xi32> to vector<16xi32>
    %add3A_60 = arith.addi %get3A_59, %broadcast_in_dim3A : vector<16xi32>
    %swap3A_61 = arith.constant 96 : index
    %swap3A_62 = tpu.vector_load %arg5[%swap3A_61] {strides = array<i32>} : memref<512xi32, #tpu.memory_space<vmem>>, vector<16xi32>,
    %swap3A_63 = vector.shape_cast %swap3A_62 : vector<16xi32> to vector<16xi32>
    %swap3A_64 = vector.shape_cast %add3A_60 : vector<16xi32> to vector<16xi32>
    tpu.vector_store %arg5[%swap3A_61], %swap3A_64 {strides = array<i32>} : memref<512xi32, #tpu.memory_space<vmem>>, vector<16xi32>,
    %get3A_65 = arith.constant 112 : index
    %get3A_66 = tpu.vector_load %arg5[%get3A_65] {strides = array<i32>} : memref<512xi32, #tpu.memory_space<vmem>>, vector<16xi32>,
    %get3A_67 = vector.shape_cast %get3A_66 : vector<16xi32> to vector<16xi32>
    %add3A_68 = arith.addi %get3A_67, %broadcast_in_dim3A : vector<16xi32>
    %swap3A_69 = arith.constant 112 : index
    %swap3A_70 = tpu.vector_load %arg5[%swap3A_69] {strides = array<i32>} : memref<512xi32, #tpu.memory_space<vmem>>, vector<16xi32>,
    %swap3A_71 = vector.shape_cast %swap3A_70 : vector<16xi32> to vector<16xi32>
    %swap3A_72 = vector.shape_cast %add3A_68 : vector<16xi32> to vector<16xi32>
    tpu.vector_store %arg5[%swap3A_69], %swap3A_72 {strides = array<i32>} : memref<512xi32, #tpu.memory_space<vmem>>, vector<16xi32>,
    %get3A_73 = arith.constant 128 : index
    %get3A_74 = tpu.vector_load %arg5[%get3A_73] {strides = array<i32>} : memref<512xi32, #tpu.memory_space<vmem>>, vector<16xi32>,
    %get3A_75 = vector.shape_cast %get3A_74 : vector<16xi32> to vector<16xi32>
    %add3A_76 = arith.addi %get3A_75, %broadcast_in_dim3A : vector<16xi32>
    %swap3A_77 = arith.constant 128 : index
    %swap3A_78 = tpu.vector_load %arg5[%swap3A_77] {strides = array<i32>} : memref<512xi32, #tpu.memory_space<vmem>>, vector<16xi32>,
    %swap3A_79 = vector.shape_cast %swap3A_78 : vector<16xi32> to vector<16xi32>
    %swap3A_80 = vector.shape_cast %add3A_76 : vector<16xi32> to vector<16xi32>
    tpu.vector_store %arg5[%swap3A_77], %swap3A_80 {strides = array<i32>} : memref<512xi32, #tpu.memory_space<vmem>>, vector<16xi32>,
    %get3A_81 = arith.constant 144 : index
    %get3A_82 = tpu.vector_load %arg5[%get3A_81] {strides = array<i32>} : memref<512xi32, #tpu.memory_space<vmem>>, vector<16xi32>,
    %get3A_83 = vector.shape_cast %get3A_82 : vector<16xi32> to vector<16xi32>
    %add3A_84 = arith.addi %get3A_83, %broadcast_in_dim3A : vector<16xi32>
    %swap3A_85 = arith.constant 144 : index
    %swap3A_86 = tpu.vector_load %arg5[%swap3A_85] {strides = array<i32>} : memref<512xi32, #tpu.memory_space<vmem>>, vector<16xi32>,
    %swap3A_87 = vector.shape_cast %swap3A_86 : vector<16xi32> to vector<16xi32>
    %swap3A_88 = vector.shape_cast %add3A_84 : vector<16xi32> to vector<16xi32>
    tpu.vector_store %arg5[%swap3A_85], %swap3A_88 {strides = array<i32>} : memref<512xi32, #tpu.memory_space<vmem>>, vector<16xi32>,
    %get3A_89 = arith.constant 160 : index
    %get3A_90 = tpu.vector_load %arg5[%get3A_89] {strides = array<i32>} : memref<512xi32, #tpu.memory_space<vmem>>, vector<16xi32>,
    %get3A_91 = vector.shape_cast %get3A_90 : vector<16xi32> to vector<16xi32>
    %add3A_92 = arith.addi %get3A_91, %broadcast_in_dim3A : vector<16xi32>
    %swap3A_93 = arith.constant 160 : index
    %swap3A_94 = tpu.vector_load %arg5[%swap3A_93] {strides = array<i32>} : memref<512xi32, #tpu.memory_space<vmem>>, vector<16xi32>,
    %swap3A_95 = vector.shape_cast %swap3A_94 : vector<16xi32> to vector<16xi32>
    %swap3A_96 = vector.shape_cast %add3A_92 : vector<16xi32> to vector<16xi32>
    tpu.vector_store %arg5[%swap3A_93], %swap3A_96 {strides = array<i32>} : memref<512xi32, #tpu.memory_space<vmem>>, vector<16xi32>,
    %get3A_97 = arith.constant 176 : index
    %get3A_98 = tpu.vector_load %arg5[%get3A_97] {strides = array<i32>} : memref<512xi32, #tpu.memory_space<vmem>>, vector<16xi32>,
    %get3A_99 = vector.shape_cast %get3A_98 : vector<16xi32> to vector<16xi32>
    %add3A_100 = arith.addi %get3A_99, %broadcast_in_dim3A : vector<16xi32>
    %swap3A_101 = arith.constant 176 : index
    %swap3A_102 = tpu.vector_load %arg5[%swap3A_101] {strides = array<i32>} : memref<512xi32, #tpu.memory_space<vmem>>, vector<16xi32>,
    %swap3A_103 = vector.shape_cast %swap3A_102 : vector<16xi32> to vector<16xi32>
    %swap3A_104 = vector.shape_cast %add3A_100 : vector<16xi32> to vector<16xi32>
    tpu.vector_store %arg5[%swap3A_101], %swap3A_104 {strides = array<i32>} : memref<512xi32, #tpu.memory_space<vmem>>, vector<16xi32>,
    %get3A_105 = arith.constant 192 : index
    %get3A_106 = tpu.vector_load %arg5[%get3A_105] {strides = array<i32>} : memref<512xi32, #tpu.memory_space<vmem>>, vector<16xi32>,
    %get3A_107 = vector.shape_cast %get3A_106 : vector<16xi32> to vector<16xi32>
    %add3A_108 = arith.addi %get3A_107, %broadcast_in_dim3A : vector<16xi32>
    %swap3A_109 = arith.constant 192 : index
    %swap3A_110 = tpu.vector_load %arg5[%swap3A_109] {strides = array<i32>} : memref<512xi32, #tpu.memory_space<vmem>>, vector<16xi32>,
    %swap3A_111 = vector.shape_cast %swap3A_110 : vector<16xi32> to vector<16xi32>
    %swap3A_112 = vector.shape_cast %add3A_108 : vector<16xi32> to vector<16xi32>
    tpu.vector_store %arg5[%swap3A_109], %swap3A_112 {strides = array<i32>} : memref<512xi32, #tpu.memory_space<vmem>>, vector<16xi32>,
    %get3A_113 = arith.constant 208 : index
    %get3A_114 = tpu.vector_load %arg5[%get3A_113] {strides = array<i32>} : memref<512xi32, #tpu.memory_space<vmem>>, vector<16xi32>,
    %get3A_115 = vector.shape_cast %get3A_114 : vector<16xi32> to vector<16xi32>
    %add3A_116 = arith.addi %get3A_115, %broadcast_in_dim3A : vector<16xi32>
    %swap3A_117 = arith.constant 208 : index
    %swap3A_118 = tpu.vector_load %arg5[%swap3A_117] {strides = array<i32>} : memref<512xi32, #tpu.memory_space<vmem>>, vector<16xi32>,
    %swap3A_119 = vector.shape_cast %swap3A_118 : vector<16xi32> to vector<16xi32>
    %swap3A_120 = vector.shape_cast %add3A_116 : vector<16xi32> to vector<16xi32>
    tpu.vector_store %arg5[%swap3A_117], %swap3A_120 {strides = array<i32>} : memref<512xi32, #tpu.memory_space<vmem>>, vector<16xi32>,
    %get3A_121 = arith.constant 224 : index
    %get3A_122 = tpu.vector_load %arg5[%get3A_121] {strides = array<i32>} : memref<512xi32, #tpu.memory_space<vmem>>, vector<16xi32>,
    %get3A_123 = vector.shape_cast %get3A_122 : vector<16xi32> to vector<16xi32>
    %add3A_124 = arith.addi %get3A_123, %broadcast_in_dim3A : vector<16xi32>
    %swap3A_125 = arith.constant 224 : index
    %swap3A_126 = tpu.vector_load %arg5[%swap3A_125] {strides = array<i32>} : memref<512xi32, #tpu.memory_space<vmem>>, vector<16xi32>,
    %swap3A_127 = vector.shape_cast %swap3A_126 : vector<16xi32> to vector<16xi32>
    %swap3A_128 = vector.shape_cast %add3A_124 : vector<16xi32> to vector<16xi32>
    tpu.vector_store %arg5[%swap3A_125], %swap3A_128 {strides = array<i32>} : memref<512xi32, #tpu.memory_space<vmem>>, vector<16xi32>,
    %get3A_129 = arith.constant 240 : index
    %get3A_130 = tpu.vector_load %arg5[%get3A_129] {strides = array<i32>} : memref<512xi32, #tpu.memory_space<vmem>>, vector<16xi32>,
    %get3A_131 = vector.shape_cast %get3A_130 : vector<16xi32> to vector<16xi32>
    %add3A_132 = arith.addi %get3A_131, %broadcast_in_dim3A : vector<16xi32>
    %swap3A_133 = arith.constant 240 : index
    %swap3A_134 = tpu.vector_load %arg5[%swap3A_133] {strides = array<i32>} : memref<512xi32, #tpu.memory_space<vmem>>, vector<16xi32>,
    %swap3A_135 = vector.shape_cast %swap3A_134 : vector<16xi32> to vector<16xi32>
    %swap3A_136 = vector.shape_cast %add3A_132 : vector<16xi32> to vector<16xi32>
    tpu.vector_store %arg5[%swap3A_133], %swap3A_136 {strides = array<i32>} : memref<512xi32, #tpu.memory_space<vmem>>, vector<16xi32>,
    %get3A_137 = arith.constant 256 : index
    %get3A_138 = tpu.vector_load %arg5[%get3A_137] {strides = array<i32>} : memref<512xi32, #tpu.memory_space<vmem>>, vector<16xi32>,
    %get3A_139 = vector.shape_cast %get3A_138 : vector<16xi32> to vector<16xi32>
    %add3A_140 = arith.addi %get3A_139, %broadcast_in_dim3A : vector<16xi32>
    %swap3A_141 = arith.constant 256 : index
    %swap3A_142 = tpu.vector_load %arg5[%swap3A_141] {strides = array<i32>} : memref<512xi32, #tpu.memory_space<vmem>>, vector<16xi32>,
    %swap3A_143 = vector.shape_cast %swap3A_142 : vector<16xi32> to vector<16xi32>
    %swap3A_144 = vector.shape_cast %add3A_140 : vector<16xi32> to vector<16xi32>
    tpu.vector_store %arg5[%swap3A_141], %swap3A_144 {strides = array<i32>} : memref<512xi32, #tpu.memory_space<vmem>>, vector<16xi32>,
    %get3A_145 = arith.constant 272 : index
    %get3A_146 = tpu.vector_load %arg5[%get3A_145] {strides = array<i32>} : memref<512xi32, #tpu.memory_space<vmem>>, vector<16xi32>,
    %get3A_147 = vector.shape_cast %get3A_146 : vector<16xi32> to vector<16xi32>
    %add3A_148 = arith.addi %get3A_147, %broadcast_in_dim3A : vector<16xi32>
    %swap3A_149 = arith.constant 272 : index
    %swap3A_150 = tpu.vector_load %arg5[%swap3A_149] {strides = array<i32>} : memref<512xi32, #tpu.memory_space<vmem>>, vector<16xi32>,
    %swap3A_151 = vector.shape_cast %swap3A_150 : vector<16xi32> to vector<16xi32>
    %swap3A_152 = vector.shape_cast %add3A_148 : vector<16xi32> to vector<16xi32>
    tpu.vector_store %arg5[%swap3A_149], %swap3A_152 {strides = array<i32>} : memref<512xi32, #tpu.memory_space<vmem>>, vector<16xi32>,
    %get3A_153 = arith.constant 288 : index
    %get3A_154 = tpu.vector_load %arg5[%get3A_153] {strides = array<i32>} : memref<512xi32, #tpu.memory_space<vmem>>, vector<16xi32>,
    %get3A_155 = vector.shape_cast %get3A_154 : vector<16xi32> to vector<16xi32>
    %add3A_156 = arith.addi %get3A_155, %broadcast_in_dim3A : vector<16xi32>
    %swap3A_157 = arith.constant 288 : index
    %swap3A_158 = tpu.vector_load %arg5[%swap3A_157] {strides = array<i32>} : memref<512xi32, #tpu.memory_space<vmem>>, vector<16xi32>,
    %swap3A_159 = vector.shape_cast %swap3A_158 : vector<16xi32> to vector<16xi32>
    %swap3A_160 = vector.shape_cast %add3A_156 : vector<16xi32> to vector<16xi32>
    tpu.vector_store %arg5[%swap3A_157], %swap3A_160 {strides = array<i32>} : memref<512xi32, #tpu.memory_space<vmem>>, vector<16xi32>,
    %get3A_161 = arith.constant 304 : index
    %get3A_162 = tpu.vector_load %arg5[%get3A_161] {strides = array<i32>} : memref<512xi32, #tpu.memory_space<vmem>>, vector<16xi32>,
    %get3A_163 = vector.shape_cast %get3A_162 : vector<16xi32> to vector<16xi32>
    %add3A_164 = arith.addi %get3A_163, %broadcast_in_dim3A : vector<16xi32>
    %swap3A_165 = arith.constant 304 : index
    %swap3A_166 = tpu.vector_load %arg5[%swap3A_165] {strides = array<i32>} : memref<512xi32, #tpu.memory_space<vmem>>, vector<16xi32>,
    %swap3A_167 = vector.shape_cast %swap3A_166 : vector<16xi32> to vector<16xi32>
    %swap3A_168 = vector.shape_cast %add3A_164 : vector<16xi32> to vector<16xi32>
    tpu.vector_store %arg5[%swap3A_165], %swap3A_168 {strides = array<i32>} : memref<512xi32, #tpu.memory_space<vmem>>, vector<16xi32>,
    %get3A_169 = arith.constant 320 : index
    %get3A_170 = tpu.vector_load %arg5[%get3A_169] {strides = array<i32>} : memref<512xi32, #tpu.memory_space<vmem>>, vector<16xi32>,
    %get3A_171 = vector.shape_cast %get3A_170 : vector<16xi32> to vector<16xi32>
    %add3A_172 = arith.addi %get3A_171, %broadcast_in_dim3A : vector<16xi32>
    %swap3A_173 = arith.constant 320 : index
    %swap3A_174 = tpu.vector_load %arg5[%swap3A_173] {strides = array<i32>} : memref<512xi32, #tpu.memory_space<vmem>>, vector<16xi32>,
    %swap3A_175 = vector.shape_cast %swap3A_174 : vector<16xi32> to vector<16xi32>
    %swap3A_176 = vector.shape_cast %add3A_172 : vector<16xi32> to vector<16xi32>
    tpu.vector_store %arg5[%swap3A_173], %swap3A_176 {strides = array<i32>} : memref<512xi32, #tpu.memory_space<vmem>>, vector<16xi32>,
    %get3A_177 = arith.constant 336 : index
    %get3A_178 = tpu.vector_load %arg5[%get3A_177] {strides = array<i32>} : memref<512xi32, #tpu.memory_space<vmem>>, vector<16xi32>,
    %get3A_179 = vector.shape_cast %get3A_178 : vector<16xi32> to vector<16xi32>
    %add3A_180 = arith.addi %get3A_179, %broadcast_in_dim3A : vector<16xi32>
    %swap3A_181 = arith.constant 336 : index
    %swap3A_182 = tpu.vector_load %arg5[%swap3A_181] {strides = array<i32>} : memref<512xi32, #tpu.memory_space<vmem>>, vector<16xi32>,
    %swap3A_183 = vector.shape_cast %swap3A_182 : vector<16xi32> to vector<16xi32>
    %swap3A_184 = vector.shape_cast %add3A_180 : vector<16xi32> to vector<16xi32>
    tpu.vector_store %arg5[%swap3A_181], %swap3A_184 {strides = array<i32>} : memref<512xi32, #tpu.memory_space<vmem>>, vector<16xi32>,
    %get3A_185 = arith.constant 352 : index
    %get3A_186 = tpu.vector_load %arg5[%get3A_185] {strides = array<i32>} : memref<512xi32, #tpu.memory_space<vmem>>, vector<16xi32>,
    %get3A_187 = vector.shape_cast %get3A_186 : vector<16xi32> to vector<16xi32>
    %add3A_188 = arith.addi %get3A_187, %broadcast_in_dim3A : vector<16xi32>
    %swap3A_189 = arith.constant 352 : index
    %swap3A_190 = tpu.vector_load %arg5[%swap3A_189] {strides = array<i32>} : memref<512xi32, #tpu.memory_space<vmem>>, vector<16xi32>,
    %swap3A_191 = vector.shape_cast %swap3A_190 : vector<16xi32> to vector<16xi32>
    %swap3A_192 = vector.shape_cast %add3A_188 : vector<16xi32> to vector<16xi32>
    tpu.vector_store %arg5[%swap3A_189], %swap3A_192 {strides = array<i32>} : memref<512xi32, #tpu.memory_space<vmem>>, vector<16xi32>,
    %get3A_193 = arith.constant 368 : index
    %get3A_194 = tpu.vector_load %arg5[%get3A_193] {strides = array<i32>} : memref<512xi32, #tpu.memory_space<vmem>>, vector<16xi32>,
    %get3A_195 = vector.shape_cast %get3A_194 : vector<16xi32> to vector<16xi32>
    %add3A_196 = arith.addi %get3A_195, %broadcast_in_dim3A : vector<16xi32>
    %swap3A_197 = arith.constant 368 : index
    %swap3A_198 = tpu.vector_load %arg5[%swap3A_197] {strides = array<i32>} : memref<512xi32, #tpu.memory_space<vmem>>, vector<16xi32>,
    %swap3A_199 = vector.shape_cast %swap3A_198 : vector<16xi32> to vector<16xi32>
    %swap3A_200 = vector.shape_cast %add3A_196 : vector<16xi32> to vector<16xi32>
    tpu.vector_store %arg5[%swap3A_197], %swap3A_200 {strides = array<i32>} : memref<512xi32, #tpu.memory_space<vmem>>, vector<16xi32>,
    %get3A_201 = arith.constant 384 : index
    %get3A_202 = tpu.vector_load %arg5[%get3A_201] {strides = array<i32>} : memref<512xi32, #tpu.memory_space<vmem>>, vector<16xi32>,
    %get3A_203 = vector.shape_cast %get3A_202 : vector<16xi32> to vector<16xi32>
    %add3A_204 = arith.addi %get3A_203, %broadcast_in_dim3A : vector<16xi32>
    %swap3A_205 = arith.constant 384 : index
    %swap3A_206 = tpu.vector_load %arg5[%swap3A_205] {strides = array<i32>} : memref<512xi32, #tpu.memory_space<vmem>>, vector<16xi32>,
    %swap3A_207 = vector.shape_cast %swap3A_206 : vector<16xi32> to vector<16xi32>
    %swap3A_208 = vector.shape_cast %add3A_204 : vector<16xi32> to vector<16xi32>
    tpu.vector_store %arg5[%swap3A_205], %swap3A_208 {strides = array<i32>} : memref<512xi32, #tpu.memory_space<vmem>>, vector<16xi32>,
    %get3A_209 = arith.constant 400 : index
    %get3A_210 = tpu.vector_load %arg5[%get3A_209] {strides = array<i32>} : memref<512xi32, #tpu.memory_space<vmem>>, vector<16xi32>,
    %get3A_211 = vector.shape_cast %get3A_210 : vector<16xi32> to vector<16xi32>
    %add3A_212 = arith.addi %get3A_211, %broadcast_in_dim3A : vector<16xi32>
    %swap3A_213 = arith.constant 400 : index
    %swap3A_214 = tpu.vector_load %arg5[%swap3A_213] {strides = array<i32>} : memref<512xi32, #tpu.memory_space<vmem>>, vector<16xi32>,
    %swap3A_215 = vector.shape_cast %swap3A_214 : vector<16xi32> to vector<16xi32>
    %swap3A_216 = vector.shape_cast %add3A_212 : vector<16xi32> to vector<16xi32>
    tpu.vector_store %arg5[%swap3A_213], %swap3A_216 {strides = array<i32>} : memref<512xi32, #tpu.memory_space<vmem>>, vector<16xi32>,
    %get3A_217 = arith.constant 416 : index
    %get3A_218 = tpu.vector_load %arg5[%get3A_217] {strides = array<i32>} : memref<512xi32, #tpu.memory_space<vmem>>, vector<16xi32>,
    %get3A_219 = vector.shape_cast %get3A_218 : vector<16xi32> to vector<16xi32>
    %add3A_220 = arith.addi %get3A_219, %broadcast_in_dim3A : vector<16xi32>
    %swap3A_221 = arith.constant 416 : index
    %swap3A_222 = tpu.vector_load %arg5[%swap3A_221] {strides = array<i32>} : memref<512xi32, #tpu.memory_space<vmem>>, vector<16xi32>,
    %swap3A_223 = vector.shape_cast %swap3A_222 : vector<16xi32> to vector<16xi32>
    %swap3A_224 = vector.shape_cast %add3A_220 : vector<16xi32> to vector<16xi32>
    tpu.vector_store %arg5[%swap3A_221], %swap3A_224 {strides = array<i32>} : memref<512xi32, #tpu.memory_space<vmem>>, vector<16xi32>,
    %get3A_225 = arith.constant 432 : index
    %get3A_226 = tpu.vector_load %arg5[%get3A_225] {strides = array<i32>} : memref<512xi32, #tpu.memory_space<vmem>>, vector<16xi32>,
    %get3A_227 = vector.shape_cast %get3A_226 : vector<16xi32> to vector<16xi32>
    %add3A_228 = arith.addi %get3A_227, %broadcast_in_dim3A : vector<16xi32>
    %swap3A_229 = arith.constant 432 : index
    %swap3A_230 = tpu.vector_load %arg5[%swap3A_229] {strides = array<i32>} : memref<512xi32, #tpu.memory_space<vmem>>, vector<16xi32>,
    %swap3A_231 = vector.shape_cast %swap3A_230 : vector<16xi32> to vector<16xi32>
    %swap3A_232 = vector.shape_cast %add3A_228 : vector<16xi32> to vector<16xi32>
    tpu.vector_store %arg5[%swap3A_229], %swap3A_232 {strides = array<i32>} : memref<512xi32, #tpu.memory_space<vmem>>, vector<16xi32>,
    %get3A_233 = arith.constant 448 : index
    %get3A_234 = tpu.vector_load %arg5[%get3A_233] {strides = array<i32>} : memref<512xi32, #tpu.memory_space<vmem>>, vector<16xi32>,
    %get3A_235 = vector.shape_cast %get3A_234 : vector<16xi32> to vector<16xi32>
    %add3A_236 = arith.addi %get3A_235, %broadcast_in_dim3A : vector<16xi32>
    %swap3A_237 = arith.constant 448 : index
    %swap3A_238 = tpu.vector_load %arg5[%swap3A_237] {strides = array<i32>} : memref<512xi32, #tpu.memory_space<vmem>>, vector<16xi32>,
    %swap3A_239 = vector.shape_cast %swap3A_238 : vector<16xi32> to vector<16xi32>
    %swap3A_240 = vector.shape_cast %add3A_236 : vector<16xi32> to vector<16xi32>
    tpu.vector_store %arg5[%swap3A_237], %swap3A_240 {strides = array<i32>} : memref<512xi32, #tpu.memory_space<vmem>>, vector<16xi32>,
    %get3A_241 = arith.constant 464 : index
    %get3A_242 = tpu.vector_load %arg5[%get3A_241] {strides = array<i32>} : memref<512xi32, #tpu.memory_space<vmem>>, vector<16xi32>,
    %get3A_243 = vector.shape_cast %get3A_242 : vector<16xi32> to vector<16xi32>
    %add3A_244 = arith.addi %get3A_243, %broadcast_in_dim3A : vector<16xi32>
    %swap3A_245 = arith.constant 464 : index
    %swap3A_246 = tpu.vector_load %arg5[%swap3A_245] {strides = array<i32>} : memref<512xi32, #tpu.memory_space<vmem>>, vector<16xi32>,
    %swap3A_247 = vector.shape_cast %swap3A_246 : vector<16xi32> to vector<16xi32>
    %swap3A_248 = vector.shape_cast %add3A_244 : vector<16xi32> to vector<16xi32>
    tpu.vector_store %arg5[%swap3A_245], %swap3A_248 {strides = array<i32>} : memref<512xi32, #tpu.memory_space<vmem>>, vector<16xi32>,
    %get3A_249 = arith.constant 480 : index
    %get3A_250 = tpu.vector_load %arg5[%get3A_249] {strides = array<i32>} : memref<512xi32, #tpu.memory_space<vmem>>, vector<16xi32>,
    %get3A_251 = vector.shape_cast %get3A_250 : vector<16xi32> to vector<16xi32>
    %add3A_252 = arith.addi %get3A_251, %broadcast_in_dim3A : vector<16xi32>
    %swap3A_253 = arith.constant 480 : index
    %swap3A_254 = tpu.vector_load %arg5[%swap3A_253] {strides = array<i32>} : memref<512xi32, #tpu.memory_space<vmem>>, vector<16xi32>,
    %swap3A_255 = vector.shape_cast %swap3A_254 : vector<16xi32> to vector<16xi32>
    %swap3A_256 = vector.shape_cast %add3A_252 : vector<16xi32> to vector<16xi32>
    tpu.vector_store %arg5[%swap3A_253], %swap3A_256 {strides = array<i32>} : memref<512xi32, #tpu.memory_space<vmem>>, vector<16xi32>,
    %get3A_257 = arith.constant 496 : index
    %get3A_258 = tpu.vector_load %arg5[%get3A_257] {strides = array<i32>} : memref<512xi32, #tpu.memory_space<vmem>>, vector<16xi32>,
    %get3A_259 = vector.shape_cast %get3A_258 : vector<16xi32> to vector<16xi32>
    %add3A_260 = arith.addi %get3A_259, %broadcast_in_dim3A : vector<16xi32>
    %swap3A_261 = arith.constant 496 : index
    %swap3A_262 = tpu.vector_load %arg5[%swap3A_261] {strides = array<i32>} : memref<512xi32, #tpu.memory_space<vmem>>, vector<16xi32>,
    %swap3A_263 = vector.shape_cast %swap3A_262 : vector<16xi32> to vector<16xi32>
    %swap3A_264 = vector.shape_cast %add3A_260 : vector<16xi32> to vector<16xi32>
    tpu.vector_store %arg5[%swap3A_261], %swap3A_264 {strides = array<i32>} : memref<512xi32, #tpu.memory_space<vmem>>, vector<16xi32>,
    %dma_wait3A_265 = arith.constant 0 : i32
    %dma_wait3A_266 = tpu.memref_slice %arg7[%mul3A_5, %dma_wait3A_265] : memref<32x128xf32, #tpu.memory_space<vmem_shared>> -> memref<2x128xf32, #tpu.memory_space<vmem_shared>>
    tpu.wait_dma2 semaphore(%arg9 : memref<!tpu.dma_semaphore, #tpu.memory_space<semaphore_mem>>) src(%arg3 : memref<2x128xf32, #tpu.memory_space<hbm>>) dst(%dma_wait3A_266 : memref<2x128xf32, #tpu.memory_space<vmem_shared>>)
    %add3A_267 = arith.constant 0 : i32
    %add3A_268 = arith.addi %mul3A_2, %add3A_267 : i32
    %add3A_269 = arith.constant 64 : i32
    %add3A_270 = arith.addi %mul3A_2, %add3A_269 : i32
    %add3A_271 = arith.constant 192 : i32
    %add3A_272 = arith.addi %mul3A_2, %add3A_271 : i32
    %add3A_273 = arith.constant 320 : i32
    %add3A_274 = arith.addi %mul3A_2, %add3A_273 : i32
    %add3A_275 = arith.constant 448 : i32
    %add3A_276 = arith.addi %mul3A_2, %add3A_275 : i32
    %dma_start3A_277 = arith.constant 0 : i32
    %dma_start3A_278 = arith.constant 0 : i32
    %dma_start3A_279 = tpu.memref_slice %arg6[%dma_start3A_277, %dma_start3A_278] : memref<512x128xf32, #tpu.memory_space<vmem>> -> memref<64x128xf32, #tpu.memory_space<vmem>>
    %dma_start3A_280 = arith.constant 0 : i32
    %dma_start3A_281 = tpu.memref_slice %arg5[%dma_start3A_280] : memref<512xi32, #tpu.memory_space<vmem>> -> memref<64xi32, #tpu.memory_space<vmem>>
    %dma_start3A_282 = arith.constant 0 : i32
    %dma_start3A_283 = arith.constant 0 : i32
    %dma_start3A_284 = tpu.memref_slice %arg7[%dma_start3A_282, %dma_start3A_283] : memref<32x128xf32, #tpu.memory_space<vmem_shared>> -> memref<32x128xf32, #tpu.memory_space<vmem_shared>>
    tpu.enqueue_indirect_dma source(%dma_start3A_284 : memref<32x128xf32, #tpu.memory_space<vmem_shared>>) target(%dma_start3A_279 : memref<64x128xf32, #tpu.memory_space<vmem>>) offsets(%dma_start3A_281 : memref<64xi32, #tpu.memory_space<vmem>>) semaphore(%arg9 : memref<!tpu.dma_semaphore, #tpu.memory_space<semaphore_mem>>)
    %dma_start3A_285 = arith.constant 64 : i32
    %dma_start3A_286 = arith.constant 0 : i32
    %dma_start3A_287 = tpu.memref_slice %arg6[%dma_start3A_285, %dma_start3A_286] : memref<512x128xf32, #tpu.memory_space<vmem>> -> memref<128x128xf32, #tpu.memory_space<vmem>>
    %dma_start3A_288 = arith.constant 64 : i32
    %dma_start3A_289 = tpu.memref_slice %arg5[%dma_start3A_288] : memref<512xi32, #tpu.memory_space<vmem>> -> memref<128xi32, #tpu.memory_space<vmem>>
    %dma_start3A_290 = arith.constant 0 : i32
    %dma_start3A_291 = arith.constant 0 : i32
    %dma_start3A_292 = tpu.memref_slice %arg7[%dma_start3A_290, %dma_start3A_291] : memref<32x128xf32, #tpu.memory_space<vmem_shared>> -> memref<32x128xf32, #tpu.memory_space<vmem_shared>>
    tpu.enqueue_indirect_dma source(%dma_start3A_292 : memref<32x128xf32, #tpu.memory_space<vmem_shared>>) target(%dma_start3A_287 : memref<128x128xf32, #tpu.memory_space<vmem>>) offsets(%dma_start3A_289 : memref<128xi32, #tpu.memory_space<vmem>>) semaphore(%arg9 : memref<!tpu.dma_semaphore, #tpu.memory_space<semaphore_mem>>)
    %dma_wait3A_293 = arith.constant 0 : i32
    %dma_wait3A_294 = arith.constant 0 : i32
    %dma_wait3A_295 = tpu.memref_slice %arg6[%dma_wait3A_293, %dma_wait3A_294] : memref<512x128xf32, #tpu.memory_space<vmem>> -> memref<64x128xf32, #tpu.memory_space<vmem>>
    %dma_wait3A_296 = arith.constant 0 : i32
    %dma_wait3A_297 = tpu.memref_slice %arg5[%dma_wait3A_296] : memref<512xi32, #tpu.memory_space<vmem>> -> memref<64xi32, #tpu.memory_space<vmem>>
    %dma_wait3A_298 = arith.constant 0 : i32
    %dma_wait3A_299 = arith.constant 0 : i32
    %dma_wait3A_300 = tpu.memref_slice %arg7[%dma_wait3A_298, %dma_wait3A_299] : memref<32x128xf32, #tpu.memory_space<vmem_shared>> -> memref<32x128xf32, #tpu.memory_space<vmem_shared>>
    tpu.wait_indirect_dma semaphore(%arg9 : memref<!tpu.dma_semaphore, #tpu.memory_space<semaphore_mem>>) src(%dma_wait3A_300 : memref<32x128xf32, #tpu.memory_space<vmem_shared>>) dst(%dma_wait3A_295 : memref<64x128xf32, #tpu.memory_space<vmem>>)
    %dma_start3A_301 = arith.constant 0 : i32
    %dma_start3A_302 = arith.constant 0 : i32
    %dma_start3A_303 = tpu.memref_slice %arg6[%dma_start3A_301, %dma_start3A_302] : memref<512x128xf32, #tpu.memory_space<vmem>> -> memref<64x128xf32, #tpu.memory_space<vmem>>
    %dma_start3A_304 = arith.constant 0 : i32
    %dma_start3A_305 = tpu.memref_slice %arg4[%add3A_268, %dma_start3A_304] : memref<16384x128xf32, #tpu.memory_space<hbm>> -> memref<64x128xf32, #tpu.memory_space<hbm>>
    %dma_start3A_306 = arith.constant 0 : i32
    %dma_start3A_307 = tpu.memref_slice %arg4[%add3A_268, %dma_start3A_306] : memref<16384x128xf32, #tpu.memory_space<hbm>> -> memref<64x128xf32, #tpu.memory_space<hbm>>
    %dma_start3A_308 = arith.constant 0 : i32
    %dma_start3A_309 = arith.constant 0 : i32
    %dma_start3A_310 = tpu.memref_slice %arg6[%dma_start3A_308, %dma_start3A_309] : memref<512x128xf32, #tpu.memory_space<vmem>> -> memref<64x128xf32, #tpu.memory_space<vmem>>
    tpu.enqueue_dma source(%dma_start3A_310 : memref<64x128xf32, #tpu.memory_space<vmem>>) target(%dma_start3A_307 : memref<64x128xf32, #tpu.memory_space<hbm>>) target_semaphore(%arg10 : memref<!tpu.dma_semaphore, #tpu.memory_space<semaphore_mem>>)
    %dma_start3A_311 = arith.constant 192 : i32
    %dma_start3A_312 = arith.constant 0 : i32
    %dma_start3A_313 = tpu.memref_slice %arg6[%dma_start3A_311, %dma_start3A_312] : memref<512x128xf32, #tpu.memory_space<vmem>> -> memref<128x128xf32, #tpu.memory_space<vmem>>
    %dma_start3A_314 = arith.constant 192 : i32
    %dma_start3A_315 = tpu.memref_slice %arg5[%dma_start3A_314] : memref<512xi32, #tpu.memory_space<vmem>> -> memref<128xi32, #tpu.memory_space<vmem>>
    %dma_start3A_316 = arith.constant 0 : i32
    %dma_start3A_317 = arith.constant 0 : i32
    %dma_start3A_318 = tpu.memref_slice %arg7[%dma_start3A_316, %dma_start3A_317] : memref<32x128xf32, #tpu.memory_space<vmem_shared>> -> memref<32x128xf32, #tpu.memory_space<vmem_shared>>
    tpu.enqueue_indirect_dma source(%dma_start3A_318 : memref<32x128xf32, #tpu.memory_space<vmem_shared>>) target(%dma_start3A_313 : memref<128x128xf32, #tpu.memory_space<vmem>>) offsets(%dma_start3A_315 : memref<128xi32, #tpu.memory_space<vmem>>) semaphore(%arg9 : memref<!tpu.dma_semaphore, #tpu.memory_space<semaphore_mem>>)
    %dma_wait3A_319 = arith.constant 64 : i32
    %dma_wait3A_320 = arith.constant 0 : i32
    %dma_wait3A_321 = tpu.memref_slice %arg6[%dma_wait3A_319, %dma_wait3A_320] : memref<512x128xf32, #tpu.memory_space<vmem>> -> memref<128x128xf32, #tpu.memory_space<vmem>>
    %dma_wait3A_322 = arith.constant 64 : i32
    %dma_wait3A_323 = tpu.memref_slice %arg5[%dma_wait3A_322] : memref<512xi32, #tpu.memory_space<vmem>> -> memref<128xi32, #tpu.memory_space<vmem>>
    %dma_wait3A_324 = arith.constant 0 : i32
    %dma_wait3A_325 = arith.constant 0 : i32
    %dma_wait3A_326 = tpu.memref_slice %arg7[%dma_wait3A_324, %dma_wait3A_325] : memref<32x128xf32, #tpu.memory_space<vmem_shared>> -> memref<32x128xf32, #tpu.memory_space<vmem_shared>>
    tpu.wait_indirect_dma semaphore(%arg9 : memref<!tpu.dma_semaphore, #tpu.memory_space<semaphore_mem>>) src(%dma_wait3A_326 : memref<32x128xf32, #tpu.memory_space<vmem_shared>>) dst(%dma_wait3A_321 : memref<128x128xf32, #tpu.memory_space<vmem>>)
    %dma_start3A_327 = arith.constant 64 : i32
    %dma_start3A_328 = arith.constant 0 : i32
    %dma_start3A_329 = tpu.memref_slice %arg6[%dma_start3A_327, %dma_start3A_328] : memref<512x128xf32, #tpu.memory_space<vmem>> -> memref<128x128xf32, #tpu.memory_space<vmem>>
    %dma_start3A_330 = arith.constant 0 : i32
    %dma_start3A_331 = tpu.memref_slice %arg4[%add3A_270, %dma_start3A_330] : memref<16384x128xf32, #tpu.memory_space<hbm>> -> memref<128x128xf32, #tpu.memory_space<hbm>>
    %dma_start3A_332 = arith.constant 0 : i32
    %dma_start3A_333 = tpu.memref_slice %arg4[%add3A_270, %dma_start3A_332] : memref<16384x128xf32, #tpu.memory_space<hbm>> -> memref<128x128xf32, #tpu.memory_space<hbm>>
    %dma_start3A_334 = arith.constant 64 : i32
    %dma_start3A_335 = arith.constant 0 : i32
    %dma_start3A_336 = tpu.memref_slice %arg6[%dma_start3A_334, %dma_start3A_335] : memref<512x128xf32, #tpu.memory_space<vmem>> -> memref<128x128xf32, #tpu.memory_space<vmem>>
    tpu.enqueue_dma source(%dma_start3A_336 : memref<128x128xf32, #tpu.memory_space<vmem>>) target(%dma_start3A_333 : memref<128x128xf32, #tpu.memory_space<hbm>>) target_semaphore(%arg10 : memref<!tpu.dma_semaphore, #tpu.memory_space<semaphore_mem>>)
    %dma_start3A_337 = arith.constant 320 : i32
    %dma_start3A_338 = arith.constant 0 : i32
    %dma_start3A_339 = tpu.memref_slice %arg6[%dma_start3A_337, %dma_start3A_338] : memref<512x128xf32, #tpu.memory_space<vmem>> -> memref<128x128xf32, #tpu.memory_space<vmem>>
    %dma_start3A_340 = arith.constant 320 : i32
    %dma_start3A_341 = tpu.memref_slice %arg5[%dma_start3A_340] : memref<512xi32, #tpu.memory_space<vmem>> -> memref<128xi32, #tpu.memory_space<vmem>>
    %dma_start3A_342 = arith.constant 0 : i32
    %dma_start3A_343 = arith.constant 0 : i32
    %dma_start3A_344 = tpu.memref_slice %arg7[%dma_start3A_342, %dma_start3A_343] : memref<32x128xf32, #tpu.memory_space<vmem_shared>> -> memref<32x128xf32, #tpu.memory_space<vmem_shared>>
    tpu.enqueue_indirect_dma source(%dma_start3A_344 : memref<32x128xf32, #tpu.memory_space<vmem_shared>>) target(%dma_start3A_339 : memref<128x128xf32, #tpu.memory_space<vmem>>) offsets(%dma_start3A_341 : memref<128xi32, #tpu.memory_space<vmem>>) semaphore(%arg9 : memref<!tpu.dma_semaphore, #tpu.memory_space<semaphore_mem>>)
    %dma_wait3A_345 = arith.constant 192 : i32
    %dma_wait3A_346 = arith.constant 0 : i32
    %dma_wait3A_347 = tpu.memref_slice %arg6[%dma_wait3A_345, %dma_wait3A_346] : memref<512x128xf32, #tpu.memory_space<vmem>> -> memref<128x128xf32, #tpu.memory_space<vmem>>
    %dma_wait3A_348 = arith.constant 192 : i32
    %dma_wait3A_349 = tpu.memref_slice %arg5[%dma_wait3A_348] : memref<512xi32, #tpu.memory_space<vmem>> -> memref<128xi32, #tpu.memory_space<vmem>>
    %dma_wait3A_350 = arith.constant 0 : i32
    %dma_wait3A_351 = arith.constant 0 : i32
    %dma_wait3A_352 = tpu.memref_slice %arg7[%dma_wait3A_350, %dma_wait3A_351] : memref<32x128xf32, #tpu.memory_space<vmem_shared>> -> memref<32x128xf32, #tpu.memory_space<vmem_shared>>
    tpu.wait_indirect_dma semaphore(%arg9 : memref<!tpu.dma_semaphore, #tpu.memory_space<semaphore_mem>>) src(%dma_wait3A_352 : memref<32x128xf32, #tpu.memory_space<vmem_shared>>) dst(%dma_wait3A_347 : memref<128x128xf32, #tpu.memory_space<vmem>>)
    %dma_start3A_353 = arith.constant 192 : i32
    %dma_start3A_354 = arith.constant 0 : i32
    %dma_start3A_355 = tpu.memref_slice %arg6[%dma_start3A_353, %dma_start3A_354] : memref<512x128xf32, #tpu.memory_space<vmem>> -> memref<128x128xf32, #tpu.memory_space<vmem>>
    %dma_start3A_356 = arith.constant 0 : i32
    %dma_start3A_357 = tpu.memref_slice %arg4[%add3A_272, %dma_start3A_356] : memref<16384x128xf32, #tpu.memory_space<hbm>> -> memref<128x128xf32, #tpu.memory_space<hbm>>
    %dma_start3A_358 = arith.constant 0 : i32
    %dma_start3A_359 = tpu.memref_slice %arg4[%add3A_272, %dma_start3A_358] : memref<16384x128xf32, #tpu.memory_space<hbm>> -> memref<128x128xf32, #tpu.memory_space<hbm>>
    %dma_start3A_360 = arith.constant 192 : i32
    %dma_start3A_361 = arith.constant 0 : i32
    %dma_start3A_362 = tpu.memref_slice %arg6[%dma_start3A_360, %dma_start3A_361] : memref<512x128xf32, #tpu.memory_space<vmem>> -> memref<128x128xf32, #tpu.memory_space<vmem>>
    tpu.enqueue_dma source(%dma_start3A_362 : memref<128x128xf32, #tpu.memory_space<vmem>>) target(%dma_start3A_359 : memref<128x128xf32, #tpu.memory_space<hbm>>) target_semaphore(%arg10 : memref<!tpu.dma_semaphore, #tpu.memory_space<semaphore_mem>>)
    %dma_start3A_363 = arith.constant 448 : i32
    %dma_start3A_364 = arith.constant 0 : i32
    %dma_start3A_365 = tpu.memref_slice %arg6[%dma_start3A_363, %dma_start3A_364] : memref<512x128xf32, #tpu.memory_space<vmem>> -> memref<64x128xf32, #tpu.memory_space<vmem>>
    %dma_start3A_366 = arith.constant 448 : i32
    %dma_start3A_367 = tpu.memref_slice %arg5[%dma_start3A_366] : memref<512xi32, #tpu.memory_space<vmem>> -> memref<64xi32, #tpu.memory_space<vmem>>
    %dma_start3A_368 = arith.constant 0 : i32
    %dma_start3A_369 = arith.constant 0 : i32
    %dma_start3A_370 = tpu.memref_slice %arg7[%dma_start3A_368, %dma_start3A_369] : memref<32x128xf32, #tpu.memory_space<vmem_shared>> -> memref<32x128xf32, #tpu.memory_space<vmem_shared>>
    tpu.enqueue_indirect_dma source(%dma_start3A_370 : memref<32x128xf32, #tpu.memory_space<vmem_shared>>) target(%dma_start3A_365 : memref<64x128xf32, #tpu.memory_space<vmem>>) offsets(%dma_start3A_367 : memref<64xi32, #tpu.memory_space<vmem>>) semaphore(%arg9 : memref<!tpu.dma_semaphore, #tpu.memory_space<semaphore_mem>>)
    %dma_wait3A_371 = arith.constant 320 : i32
    %dma_wait3A_372 = arith.constant 0 : i32
    %dma_wait3A_373 = tpu.memref_slice %arg6[%dma_wait3A_371, %dma_wait3A_372] : memref<512x128xf32, #tpu.memory_space<vmem>> -> memref<128x128xf32, #tpu.memory_space<vmem>>
    %dma_wait3A_374 = arith.constant 320 : i32
    %dma_wait3A_375 = tpu.memref_slice %arg5[%dma_wait3A_374] : memref<512xi32, #tpu.memory_space<vmem>> -> memref<128xi32, #tpu.memory_space<vmem>>
    %dma_wait3A_376 = arith.constant 0 : i32
    %dma_wait3A_377 = arith.constant 0 : i32
    %dma_wait3A_378 = tpu.memref_slice %arg7[%dma_wait3A_376, %dma_wait3A_377] : memref<32x128xf32, #tpu.memory_space<vmem_shared>> -> memref<32x128xf32, #tpu.memory_space<vmem_shared>>
    tpu.wait_indirect_dma semaphore(%arg9 : memref<!tpu.dma_semaphore, #tpu.memory_space<semaphore_mem>>) src(%dma_wait3A_378 : memref<32x128xf32, #tpu.memory_space<vmem_shared>>) dst(%dma_wait3A_373 : memref<128x128xf32, #tpu.memory_space<vmem>>)
    %dma_start3A_379 = arith.constant 320 : i32
    %dma_start3A_380 = arith.constant 0 : i32
    %dma_start3A_381 = tpu.memref_slice %arg6[%dma_start3A_379, %dma_start3A_380] : memref<512x128xf32, #tpu.memory_space<vmem>> -> memref<128x128xf32, #tpu.memory_space<vmem>>
    %dma_start3A_382 = arith.constant 0 : i32
    %dma_start3A_383 = tpu.memref_slice %arg4[%add3A_274, %dma_start3A_382] : memref<16384x128xf32, #tpu.memory_space<hbm>> -> memref<128x128xf32, #tpu.memory_space<hbm>>
    %dma_start3A_384 = arith.constant 0 : i32
    %dma_start3A_385 = tpu.memref_slice %arg4[%add3A_274, %dma_start3A_384] : memref<16384x128xf32, #tpu.memory_space<hbm>> -> memref<128x128xf32, #tpu.memory_space<hbm>>
    %dma_start3A_386 = arith.constant 320 : i32
    %dma_start3A_387 = arith.constant 0 : i32
    %dma_start3A_388 = tpu.memref_slice %arg6[%dma_start3A_386, %dma_start3A_387] : memref<512x128xf32, #tpu.memory_space<vmem>> -> memref<128x128xf32, #tpu.memory_space<vmem>>
    tpu.enqueue_dma source(%dma_start3A_388 : memref<128x128xf32, #tpu.memory_space<vmem>>) target(%dma_start3A_385 : memref<128x128xf32, #tpu.memory_space<hbm>>) target_semaphore(%arg10 : memref<!tpu.dma_semaphore, #tpu.memory_space<semaphore_mem>>)
    %dma_wait3A_389 = arith.constant 448 : i32
    %dma_wait3A_390 = arith.constant 0 : i32
    %dma_wait3A_391 = tpu.memref_slice %arg6[%dma_wait3A_389, %dma_wait3A_390] : memref<512x128xf32, #tpu.memory_space<vmem>> -> memref<64x128xf32, #tpu.memory_space<vmem>>
    %dma_wait3A_392 = arith.constant 448 : i32
    %dma_wait3A_393 = tpu.memref_slice %arg5[%dma_wait3A_392] : memref<512xi32, #tpu.memory_space<vmem>> -> memref<64xi32, #tpu.memory_space<vmem>>
    %dma_wait3A_394 = arith.constant 0 : i32
    %dma_wait3A_395 = arith.constant 0 : i32
    %dma_wait3A_396 = tpu.memref_slice %arg7[%dma_wait3A_394, %dma_wait3A_395] : memref<32x128xf32, #tpu.memory_space<vmem_shared>> -> memref<32x128xf32, #tpu.memory_space<vmem_shared>>
    tpu.wait_indirect_dma semaphore(%arg9 : memref<!tpu.dma_semaphore, #tpu.memory_space<semaphore_mem>>) src(%dma_wait3A_396 : memref<32x128xf32, #tpu.memory_space<vmem_shared>>) dst(%dma_wait3A_391 : memref<64x128xf32, #tpu.memory_space<vmem>>)
    %dma_start3A_397 = arith.constant 448 : i32
    %dma_start3A_398 = arith.constant 0 : i32
    %dma_start3A_399 = tpu.memref_slice %arg6[%dma_start3A_397, %dma_start3A_398] : memref<512x128xf32, #tpu.memory_space<vmem>> -> memref<64x128xf32, #tpu.memory_space<vmem>>
    %dma_start3A_400 = arith.constant 0 : i32
    %dma_start3A_401 = tpu.memref_slice %arg4[%add3A_276, %dma_start3A_400] : memref<16384x128xf32, #tpu.memory_space<hbm>> -> memref<64x128xf32, #tpu.memory_space<hbm>>
    %dma_start3A_402 = arith.constant 0 : i32
    %dma_start3A_403 = tpu.memref_slice %arg4[%add3A_276, %dma_start3A_402] : memref<16384x128xf32, #tpu.memory_space<hbm>> -> memref<64x128xf32, #tpu.memory_space<hbm>>
    %dma_start3A_404 = arith.constant 448 : i32
    %dma_start3A_405 = arith.constant 0 : i32
    %dma_start3A_406 = tpu.memref_slice %arg6[%dma_start3A_404, %dma_start3A_405] : memref<512x128xf32, #tpu.memory_space<vmem>> -> memref<64x128xf32, #tpu.memory_space<vmem>>
    tpu.enqueue_dma source(%dma_start3A_406 : memref<64x128xf32, #tpu.memory_space<vmem>>) target(%dma_start3A_403 : memref<64x128xf32, #tpu.memory_space<hbm>>) target_semaphore(%arg10 : memref<!tpu.dma_semaphore, #tpu.memory_space<semaphore_mem>>)
    %dma_wait3A_407 = arith.constant 0 : i32
    %dma_wait3A_408 = arith.constant 0 : i32
    %dma_wait3A_409 = tpu.memref_slice %arg6[%dma_wait3A_407, %dma_wait3A_408] : memref<512x128xf32, #tpu.memory_space<vmem>> -> memref<64x128xf32, #tpu.memory_space<vmem>>
    %dma_wait3A_410 = arith.constant 0 : i32
    %dma_wait3A_411 = tpu.memref_slice %arg4[%add3A_268, %dma_wait3A_410] : memref<16384x128xf32, #tpu.memory_space<hbm>> -> memref<64x128xf32, #tpu.memory_space<hbm>>
    %dma_wait3A_412 = arith.constant 0 : i32
    %dma_wait3A_413 = tpu.memref_slice %arg4[%add3A_268, %dma_wait3A_412] : memref<16384x128xf32, #tpu.memory_space<hbm>> -> memref<64x128xf32, #tpu.memory_space<hbm>>
    %dma_wait3A_414 = arith.constant 0 : i32
    %dma_wait3A_415 = arith.constant 0 : i32
    %dma_wait3A_416 = tpu.memref_slice %arg6[%dma_wait3A_414, %dma_wait3A_415] : memref<512x128xf32, #tpu.memory_space<vmem>> -> memref<64x128xf32, #tpu.memory_space<vmem>>
    tpu.wait_dma2 semaphore(%arg10 : memref<!tpu.dma_semaphore, #tpu.memory_space<semaphore_mem>>) src(%dma_wait3A_416 : memref<64x128xf32, #tpu.memory_space<vmem>>) dst(%dma_wait3A_413 : memref<64x128xf32, #tpu.memory_space<hbm>>)
    %dma_wait3A_417 = arith.constant 64 : i32
    %dma_wait3A_418 = arith.constant 0 : i32
    %dma_wait3A_419 = tpu.memref_slice %arg6[%dma_wait3A_417, %dma_wait3A_418] : memref<512x128xf32, #tpu.memory_space<vmem>> -> memref<128x128xf32, #tpu.memory_space<vmem>>
    %dma_wait3A_420 = arith.constant 0 : i32
    %dma_wait3A_421 = tpu.memref_slice %arg4[%add3A_270, %dma_wait3A_420] : memref<16384x128xf32, #tpu.memory_space<hbm>> -> memref<128x128xf32, #tpu.memory_space<hbm>>
    %dma_wait3A_422 = arith.constant 0 : i32
    %dma_wait3A_423 = tpu.memref_slice %arg4[%add3A_270, %dma_wait3A_422] : memref<16384x128xf32, #tpu.memory_space<hbm>> -> memref<128x128xf32, #tpu.memory_space<hbm>>
    %dma_wait3A_424 = arith.constant 64 : i32
    %dma_wait3A_425 = arith.constant 0 : i32
    %dma_wait3A_426 = tpu.memref_slice %arg6[%dma_wait3A_424, %dma_wait3A_425] : memref<512x128xf32, #tpu.memory_space<vmem>> -> memref<128x128xf32, #tpu.memory_space<vmem>>
    tpu.wait_dma2 semaphore(%arg10 : memref<!tpu.dma_semaphore, #tpu.memory_space<semaphore_mem>>) src(%dma_wait3A_426 : memref<128x128xf32, #tpu.memory_space<vmem>>) dst(%dma_wait3A_423 : memref<128x128xf32, #tpu.memory_space<hbm>>)
    %dma_wait3A_427 = arith.constant 192 : i32
    %dma_wait3A_428 = arith.constant 0 : i32
    %dma_wait3A_429 = tpu.memref_slice %arg6[%dma_wait3A_427, %dma_wait3A_428] : memref<512x128xf32, #tpu.memory_space<vmem>> -> memref<128x128xf32, #tpu.memory_space<vmem>>
    %dma_wait3A_430 = arith.constant 0 : i32
    %dma_wait3A_431 = tpu.memref_slice %arg4[%add3A_272, %dma_wait3A_430] : memref<16384x128xf32, #tpu.memory_space<hbm>> -> memref<128x128xf32, #tpu.memory_space<hbm>>
    %dma_wait3A_432 = arith.constant 0 : i32
    %dma_wait3A_433 = tpu.memref_slice %arg4[%add3A_272, %dma_wait3A_432] : memref<16384x128xf32, #tpu.memory_space<hbm>> -> memref<128x128xf32, #tpu.memory_space<hbm>>
    %dma_wait3A_434 = arith.constant 192 : i32
    %dma_wait3A_435 = arith.constant 0 : i32
    %dma_wait3A_436 = tpu.memref_slice %arg6[%dma_wait3A_434, %dma_wait3A_435] : memref<512x128xf32, #tpu.memory_space<vmem>> -> memref<128x128xf32, #tpu.memory_space<vmem>>
    tpu.wait_dma2 semaphore(%arg10 : memref<!tpu.dma_semaphore, #tpu.memory_space<semaphore_mem>>) src(%dma_wait3A_436 : memref<128x128xf32, #tpu.memory_space<vmem>>) dst(%dma_wait3A_433 : memref<128x128xf32, #tpu.memory_space<hbm>>)
    %dma_wait3A_437 = arith.constant 320 : i32
    %dma_wait3A_438 = arith.constant 0 : i32
    %dma_wait3A_439 = tpu.memref_slice %arg6[%dma_wait3A_437, %dma_wait3A_438] : memref<512x128xf32, #tpu.memory_space<vmem>> -> memref<128x128xf32, #tpu.memory_space<vmem>>
    %dma_wait3A_440 = arith.constant 0 : i32
    %dma_wait3A_441 = tpu.memref_slice %arg4[%add3A_274, %dma_wait3A_440] : memref<16384x128xf32, #tpu.memory_space<hbm>> -> memref<128x128xf32, #tpu.memory_space<hbm>>
    %dma_wait3A_442 = arith.constant 0 : i32
    %dma_wait3A_443 = tpu.memref_slice %arg4[%add3A_274, %dma_wait3A_442] : memref<16384x128xf32, #tpu.memory_space<hbm>> -> memref<128x128xf32, #tpu.memory_space<hbm>>
    %dma_wait3A_444 = arith.constant 320 : i32
    %dma_wait3A_445 = arith.constant 0 : i32
    %dma_wait3A_446 = tpu.memref_slice %arg6[%dma_wait3A_444, %dma_wait3A_445] : memref<512x128xf32, #tpu.memory_space<vmem>> -> memref<128x128xf32, #tpu.memory_space<vmem>>
    tpu.wait_dma2 semaphore(%arg10 : memref<!tpu.dma_semaphore, #tpu.memory_space<semaphore_mem>>) src(%dma_wait3A_446 : memref<128x128xf32, #tpu.memory_space<vmem>>) dst(%dma_wait3A_443 : memref<128x128xf32, #tpu.memory_space<hbm>>)
    %dma_wait3A_447 = arith.constant 448 : i32
    %dma_wait3A_448 = arith.constant 0 : i32
    %dma_wait3A_449 = tpu.memref_slice %arg6[%dma_wait3A_447, %dma_wait3A_448] : memref<512x128xf32, #tpu.memory_space<vmem>> -> memref<64x128xf32, #tpu.memory_space<vmem>>
    %dma_wait3A_450 = arith.constant 0 : i32
    %dma_wait3A_451 = tpu.memref_slice %arg4[%add3A_276, %dma_wait3A_450] : memref<16384x128xf32, #tpu.memory_space<hbm>> -> memref<64x128xf32, #tpu.memory_space<hbm>>
    %dma_wait3A_452 = arith.constant 0 : i32
    %dma_wait3A_453 = tpu.memref_slice %arg4[%add3A_276, %dma_wait3A_452] : memref<16384x128xf32, #tpu.memory_space<hbm>> -> memref<64x128xf32, #tpu.memory_space<hbm>>
    %dma_wait3A_454 = arith.constant 448 : i32
    %dma_wait3A_455 = arith.constant 0 : i32
    %dma_wait3A_456 = tpu.memref_slice %arg6[%dma_wait3A_454, %dma_wait3A_455] : memref<512x128xf32, #tpu.memory_space<vmem>> -> memref<64x128xf32, #tpu.memory_space<vmem>>
    tpu.wait_dma2 semaphore(%arg10 : memref<!tpu.dma_semaphore, #tpu.memory_space<semaphore_mem>>) src(%dma_wait3A_456 : memref<64x128xf32, #tpu.memory_space<vmem>>) dst(%dma_wait3A_453 : memref<64x128xf32, #tpu.memory_space<hbm>>)
    return
  }
}

</mosaic_0001>

<sc_bundles>
// kernel: kernel.3.cloned.1.call-start
scs
__scs_entry_jumppad:
0x0: {  	(pc) =	sbr.rel $0x88, $3  }
0x1: {  	(tag) =	ssettag $0x0;
	lr =	simm.s32 $0x1  }
0x2: {  	[smem:$0x3F9F] =	sst lr;
	_ =	strace $0xD0000000  }
0x3: {  	_ = 	snop  }
0x4: {  	_ = 	snop  }
0x5: {  	_ = 	snop  }
0x6: {  	_ = 	snop  }
0x7: {  	_ = 	snop  }
__scs_overlays_trampoline_lowered:
0x8: {  	[smem:$0x3FAE] =	sst s0  }
0x9: {  	[smem:$0x3FAF] =	sst s1  }
0xa: {  	[smem:$0x3FB0] =	sst s2  }
0xb: {  	[smem:$0x3FB1] =	sst s3  }
0xc: {  	[smem:$0x3FB2] =	sst s4  }
0xd: {  	[smem:$0x3FB3] =	sst s5  }
0xe: {  	[smem:$0x3FB4] =	sst s6  }
0xf: {  	[smem:$0x3FB5] =	sst s7  }
0x10: {  	[smem:$0x3FB6] =	sst s8  }
0x11: {  	[smem:$0x3FB7] =	sst s9;
	s0 =	simm.s32 @!p0 $0x0  }
0x12: {  	s1 =	sld [smem:$0x3F9D];
	s0 =	simm.s32 @p0 $0x1  }
0x13: {  	[smem:$0x3FB8] =	sst s0;
	s0 =	simm.s32 @!p1 $0x0  }
0x14: {  	s2 =	sld [smem:$0x3F9C];
	s0 =	simm.s32 @p1 $0x1  }
0x15: {  	[smem:$0x3FB9] =	sst s0;
	s0 =	simm.s32 @!p2 $0x0  }
0x16: {  	s3 =	sld [smem:$0x3FDB];
	s0 =	simm.s32 @p2 $0x1  }
0x17: {  	s4 =	simm.s32 $0x1BF5;
	[smem:$0x3FBB] =	sst s0  }
0x18: {  	s0 =	sld [smem:$0x3F9E];
	_ =	swait.ge [sflag:s4], $0x0  }
0x19: {  	s7 =	sld [smem:$0x3F9F]  }
0x1a: {  	s8 =	sadd.s32 $0xFFFFE003, lr  }
0x1b: {  	s9 =	sadd.s32 $0xFFFFFEF7, lr;
	s5 =	simm.s32 $0xFFFFFFFF;
	p2 =	slt.u32 s8, $0xFFFFF086  }
0x1c: {  	p1 =	slt.u32 s9, $0xF7A;
	s5 =	simm.s32 @!p2 $0x0  }
0x1d: {  	s5 =	simm.s32 @p1 $0x1;
	p0 =	seq.s32 s7, s2  }
0x1e: {  	s7 =	smul.u32 @!p0 $0xF7A, s2;
	p2 =	seq.s32 @!p0 s5, $0x0  }
0x1f: {  	s9 =	smul.u32 $0xF7A, s1;
	s8 =	simm.s32 @!p0 $0x1BF5;
	p2 =	por !p2, p0  }
0x20: {  	[sflag:s8] =	ssyncset.s32 @!p0 $0xFFFFF086;
	s6 =	sadd.s32 @!p0 s3, s7;
	s7 =	simm.s32 @!p0 $0x108  }
0x21: {  	s3 =	sadd.s32 s3, s9;
	s6 =	sadd.s32 @!p0 $0x88, s6;
	s7 =	simm.s32 @p2 $0x1082  }
0x22: {  	[simem:s7], [sflag:s8] =	dma.local @!p0 [hbm:s6], $0xF7A  }
0x23: {  	s9 =	sor.u32 $0xD0000000, s2;
	s6 =	simm.s32 $0x108;
	_ =	swait.ge @!p0 [sflag:s8], $0x0  }
0x24: {  	s3 =	sadd.s32 $0x88, s3;
	s6 =	simm.s32 @!p1 $0x1082;
	[sflag:s4] =	ssyncset.s32 $0xFFFFF086  }
0x25: {  	[simem:s6], [sflag:s4] =	dma.local [hbm:s3], $0xF7A  }
0x26: {  	[smem:$0x3F9F] =	sst s1;
	(tag) =	ssettag s2;
	_ =	strace s9  }
0x27: {  	s1 =	sld [smem:$0x3FAF]  }
0x28: {  	s2 =	sld [smem:$0x3FB0]  }
0x29: {  	s4 =	sld [smem:$0x3FB2]  }
0x2a: {  	p0 =	seq.s32 s5, $0x0;
	s5 =	sld [smem:$0x3FB3]  }
0x2b: {  	s6 =	sld [smem:$0x3FB4]  }
0x2c: {  	s7 =	sld [smem:$0x3FB5]  }
0x2d: {  	s3 =	simm.s32 $0x108;
	s8 =	sld [smem:$0x3FB6]  }
0x2e: {  	s3 =	simm.s32 @!p0 $0x1082;
	s9 =	sld [smem:$0x3FB7]  }
0x2f: {  	lr =	sadd.s32 s0, s3;
	s0 =	sld [smem:$0x3FAE]  }
0x30: {  	s3 =	sld [smem:$0x3FB1]  }
0x31: {  	[smem:$0x3FBA] =	sst s10  }
0x32: {  	s10 =	sld [smem:$0x3FB8];
	_ =	sdelay $0x3  }
0x33: {  	p0 =	seq.s32 s10, $0x1;
	s10 =	sld [smem:$0x3FBA];
	_ =	sdelay $0x3  }
0x34: {  	[smem:$0x3FBA] =	sst s10  }
0x35: {  	s10 =	sld [smem:$0x3FB9];
	_ =	sdelay $0x3  }
0x36: {  	p1 =	seq.s32 s10, $0x1;
	s10 =	sld [smem:$0x3FBA];
	_ =	sdelay $0x3  }
0x37: {  	[smem:$0x3FBA] =	sst s10  }
0x38: {  	s10 =	sld [smem:$0x3FBB]  }
0x39: {  	_ = 	snop;
	(pc) =	sbr.ind lr, $3  }
0x3a: {  	_ = 	snop  }
0x3b: {  	_ = 	snop  }
0x3c: {  	p2 =	seq.s32 s10, $0x1;
	s10 =	sld [smem:$0x3FBA]  }
0x3d: {  	_ =	shalt  }
0x3e: {  	_ =	shalt  }
0x3f: {  	_ =	shalt  }
0x40: {  	_ =	shalt  }
0x41: {  	_ =	shalt  }
0x42: {  	_ =	shalt  }
0x43: {  	_ =	shalt  }
0x44: {  	_ =	shalt  }
0x45: {  	_ =	shalt  }
0x46: {  	_ =	shalt  }
0x47: {  	_ =	shalt  }
0x48: {  	_ =	shalt  }
0x49: {  	_ =	shalt  }
0x4a: {  	_ =	shalt  }
0x4b: {  	_ =	shalt  }
0x4c: {  	_ =	shalt  }
0x4d: {  	_ =	shalt  }
0x4e: {  	_ =	shalt  }
0x4f: {  	_ =	shalt  }
0x50: {  	_ =	shalt  }
0x51: {  	_ =	shalt  }
0x52: {  	_ =	shalt  }
0x53: {  	_ =	shalt  }
0x54: {  	_ =	shalt  }
0x55: {  	_ =	shalt  }
0x56: {  	_ =	shalt  }
0x57: {  	_ =	shalt  }
0x58: {  	_ =	shalt  }
0x59: {  	_ =	shalt  }
0x5a: {  	_ =	shalt  }
0x5b: {  	_ =	shalt  }
0x5c: {  	_ =	shalt  }
0x5d: {  	_ =	shalt  }
0x5e: {  	_ =	shalt  }
0x5f: {  	_ =	shalt  }
0x60: {  	_ =	shalt  }
0x61: {  	_ =	shalt  }
0x62: {  	_ =	shalt  }
0x63: {  	_ =	shalt  }
0x64: {  	_ =	shalt  }
0x65: {  	_ =	shalt  }
0x66: {  	_ =	shalt  }
0x67: {  	_ =	shalt  }
0x68: {  	_ =	shalt  }
0x69: {  	_ =	shalt  }
0x6a: {  	_ =	shalt  }
0x6b: {  	_ =	shalt  }
0x6c: {  	_ =	shalt  }
0x6d: {  	_ =	shalt  }
0x6e: {  	_ =	shalt  }
0x6f: {  	_ =	shalt  }
0x70: {  	_ =	shalt  }
0x71: {  	_ =	shalt  }
0x72: {  	_ =	shalt  }
0x73: {  	_ =	shalt  }
0x74: {  	_ =	shalt  }
0x75: {  	_ =	shalt  }
0x76: {  	_ =	shalt  }
0x77: {  	_ =	shalt  }
0x78: {  	_ =	shalt  }
0x79: {  	_ =	shalt  }
0x7a: {  	_ =	shalt  }
0x7b: {  	_ =	shalt  }
0x7c: {  	_ =	shalt  }
0x7d: {  	_ =	shalt  }
0x7e: {  	_ =	shalt  }
0x7f: {  	_ =	shalt  }
0x80: {  	_ =	shalt  }
0x81: {  	_ =	shalt  }
0x82: {  	_ =	shalt  }
0x83: {  	_ =	shalt  }
0x84: {  	_ =	shalt  }
0x85: {  	_ =	shalt  }
0x86: {  	_ =	shalt  }
0x87: {  	_ =	shalt  }
.Lfunc_end0:
.L_simem_size_0:
called_computation_lowered:
.L_overlay_start_0:
0x88: {  	s2 =	sld [smem:$0x3FD9]  }
0x89: {  	s3 =	sld [smem:$0x3FFE];
	_ =	sdelay $0x1  }
0x8a: {  	s1 =	srdreg.scid  }
0x8b: {  	s0 =	sand.u32 $0x1, s1  }
0x8c: {  	s18 =	sshll.u32 s0, $0xA;
	s2 =	sadd.s32 s3, s2  }
0x8d: {  	s2 =	sadd.s32 s2, s18  }
0x8e: {  	[smem:$0x3FC6] =	sst s2  }
0x8f: {  	_ = 	snop  }
0x90: {  	s2 =	sld [smem:$0x3FC9]  }
0x91: {  	s19 =	sld [smem:$0x3FC8]  }
0x92: {  	s4 =	sld [smem:$0x3FD0];
	(tm) =	ssettm $0x1  }
0x93: {  	s5 =	sld [smem:$0x3FFB];
	_ =	sdelay $0x3  }
0x94: {  	_ =	strace s5  }
0x95: {  	s5 =	sld [smem:$0x3FFC];
	_ =	sdelay $0x3  }
0x96: {  	_ =	strace s5  }
0x97: {  	s5 =	sld [smem:$0x3FFD];
	_ =	sdelay $0x3  }
0x98: {  	_ =	strace s5  }
0x99: {  	_ =	strace $0x8FFFFFFF  }
0x9a: {  	s20 =	sld [smem:$0x3FDB];
	_ =	sdelay $0x1  }
0x9b: {  	s6 =	simm.s32 $_scs_section_size  }
0x9c: {  	s7 =	simm.s32 $_size__tile_overlayer_lowered;
	s8 =	simm.s32 $_tile_overlayer_lowered  }
0x9d: {  	s23 =	simm.s32 $0x1BFF;
	s22 =	sshll.u32 s8, $0x1;
	s5 =	sadd.s32 s6, s20  }
0x9e: {  	s9 =	simm.s32 $0x0;
	s21 =	sshll.u32 s7, $0x1;
	s7 =	sadd.s32 s22, s5  }
0x9f: {  	[timem:s9], [sflag:s23] =	dma.local [hbm:s7], s21  }
0xa0: {  	_ =	swait.ge [sflag:s23], s21  }
0xa1: {  	s6 =	ssub.s32 $0x0, s21;
	[sflag:s23] =	ssyncset.done $0x0  }
0xa2: {  	[sflag:s23] =	ssyncadd.s32 s6;
	_ =	sdelay $0x1  }
0xa3: {  	s24 =	simm.s32 $0x1B8B  }
0xa4: {  	_ =	swait.ge [sflag:s24], $0x1  }
0xa5: {  	[sflag:s24] =	ssyncset.done $0x0  }
0xa6: {  	s25 =	simm.s32 $0x1B8E;
	[sflag:s24] =	ssyncadd.s32 $0xFFFFFFFF  }
0xa7: {  	s26 =	simm.s32 $execute0_lowered;
	[smem:$0x3FD2] =	sst s25  }
0xa8: {  	s6 =	sshll.u32 s26, $0x1;
	_ =	strace $0x80000046;
	[dreg:$0x1] =	wrdreg $0xFFFFFFFF  }
0xa9: {  	s28 =	simm.s32 $_size_execute0_lowered;
	s5 =	sadd.s32 s5, s6;
	[dreg:$0x0] =	wrdreg $0x0  }
0xaa: {  	s6 =	sshll.u32 s28, $0x1;
	[dreg:$0x2] =	wrdreg s5  }
0xab: {  	[dreg:$0x3] =	wrdreg s6  }
0xac: {  	[dreg:$0x4] =	wrdreg $0xC0  }
0xad: {  	_ =	task [dreg:s9], $0x5FFFF  }
0xae: {  	[dreg:$0x1] =	wrdreg $0xFFFFFFFF  }
0xaf: {  	[dreg:$0x0] =	wrdreg $0x60  }
0xb0: {  	[dreg:$0x2] =	wrdreg s2  }
0xb1: {  	[dreg:$0x3] =	wrdreg s19  }
0xb2: {  	[dreg:$0x4] =	wrdreg s4  }
0xb3: {  	[dreg:$0x5] =	wrdreg $0x102000  }
0xb4: {  	[dreg:$0x6] =	wrdreg $0x9  }
0xb5: {  	_ =	task.clear_ibuf [dreg:s9], $0x7FFFF;
	_ =	strace $0x90000046  }
0xb6: {  	s29 =	simm.s32 $0x9;
	_ =	strace $0x80000048  }
0xb7: {  	_ =	swait.ge [sflag:s29], $0x1  }
0xb8: {  	[sflag:s29] =	ssyncadd.s32 $0xFFFFFFFF  }
0xb9: {  	_ =	strace $0x90000048  }
0xba: {  	_ =	sfence  }
0xbb: {  	s30 =	sld [smem:$0x0];
	_ =	sdelay $0x2  }
0xbc: {  	s31 =	sshll.u32 s1, $0xD;
	s1 =	sshrl.u32 s1, $0x2  }
0xbd: {  	s3 =	sand.u32 $0x4000, s31;
	s1 =	sadd.s32 s1, s30  }
0xbe: {  	s0 =	sor.u32 s3, s0;
	s1 =	sshll.u32 s1, $0x11  }
0xbf: {  	s0 =	sor.u32 s1, s0  }
0xc0: {  	s0 =	sadd.s32 $0x8F2B, s0  }
0xc1: {  	[sflag:s0] =	ssyncadd.remote.s32 $0x1  }
0xc2: {  	_ =	sfence.sel $0xFFFF  }
0xc3: {  	[dreg:$0x0] =	wrdreg $0xFFFFFFFF;
	(pc) =	sbr.abs _section_cstart, $3  }
0xc4: {  	[dreg:$0x1] =	wrdreg $0xFFFFFFFF  }
0xc5: {  	_ =	task.clear_ibuf [dreg:s9], $0x2FFFF;
	_ =	strace $0x9FFFFFFF  }
0xc6: {  	(tm) =	ssettm $0x7FFFFFFF  }
0xc7: {  	_ =	shalt  }
tec
execute0_lowered:
.L_overlay_start_1:
0x0: {  	(tag) =	ssettag $0x1  }
0x1: {  	s5 =	rddreg [dreg:$0x0]  }
0x2: {  	s4 =	rddreg [dreg:$0x1]  }
0x3: {  	s11 =	rddreg [dreg:$0x2]  }
0x4: {  	s3 =	rddreg [dreg:$0x3]  }
0x5: {  	s0 =	rddreg [dreg:$0x4];
	s6 =	srdreg.scid  }
0x6: {  	s1 =	stileid.u32;
	s2 =	simm.s32 $0x0;
	s8 =	simm.s32 $0x1  }
0x7: {  	s10 =	sand.u32 $0x1, s6;
	s9 =	sshll.u32 s1, $0x1;
	[smem:$0x7FF] =	sst s2  }
0x8: {  	s7 =	sshll.u32 s1, $0x8;
	s30 =	sshll.u32 s1, $0x6;
	s12 =	sor.u32 s10, s9  }
0x9: {  	_ =	strace $0x80000047;
	s7 =	sadd.s32 s7, s3;
	s29 =	sshll.u32 s12, $0x6  }
0xa: {  	s6 =	sor.u32 $0x1C02, s30;
	s7 =	sshrl.u32 s7, $0x3;
	s5 =	sadd.s32 s5, s29  }
0xb: {  	[tilespmem:s2], [sflag:$0x1] =	stream.linear.gather [hbm4b:s5+s2], $0x200, $0x38;
	[tilespmem:$0x10300] =	vst v63  }
0xc: {  	[spmem:s7], [sflag:s6] =	dma.local [hbm:s4], $0x20  }
0xd: {  	_ =	swait.ge [sflag:s8], $0x200  }
0xe: {  	[sflag:s8] =	ssyncset.done $0x0  }
0xf: {  	[sflag:s8] =	ssyncadd.s32 $0xFFFFFE00  }
0x10: {  	v1 =	vld [tilespmem:$0x1F0]  }
0x11: {  	v2 =	vld [tilespmem:$0x1E0]  }
0x12: {  	v5 =	vld [tilespmem:$0x1C0]  }
0x13: {  	v6 =	vld [tilespmem:$0x1B0]  }
0x14: {  	v0 =	vmov s9;
	v7 =	vld [tilespmem:$0x190]  }
0x15: {  	v3 =	vld [tilespmem:$0x130];
	v1 =	vadd.s32 v0, v1  }
0x16: {  	v50 =	vld [tilespmem:$0x120];
	v2 =	vadd.s32 v0, v2;
	[tilespmem:$0x1F0] =	vst v1  }
0x17: {  	v4 =	vld [tilespmem:$0x1D0];
	v5 =	vadd.s32 v0, v5;
	[tilespmem:$0x1E0] =	vst v2  }
0x18: {  	v54 =	vld [tilespmem:$0x30];
	v6 =	vadd.s32 v0, v6;
	[tilespmem:$0x1C0] =	vst v5  }
0x19: {  	v60 =	vld [tilespmem:$0x20];
	v7 =	vadd.s32 v0, v7;
	[tilespmem:$0x1B0] =	vst v6  }
0x1a: {  	v1 =	vadd.s32 v0, v3;
	v3 =	vld [tilespmem:$0x180];
	[tilespmem:$0x190] =	vst v7  }
0x1b: {  	v53 =	vadd.s32 v0, v50;
	[tilespmem:$0x130] =	vst v1;
	v1 =	vld [tilespmem:$0x170]  }
0x1c: {  	v47 =	vld [tilespmem:$0x160];
	v2 =	vadd.s32 v0, v4;
	[tilespmem:$0x120] =	vst v53  }
0x1d: {  	v57 =	vadd.s32 v0, v54;
	[tilespmem:$0x1D0] =	vst v2;
	v2 =	vld [tilespmem:$0x150]  }
0x1e: {  	v49 =	vld [tilespmem:$0xB0];
	v63 =	vadd.s32 v0, v60;
	[tilespmem:$0x30] =	vst v57  }
0x1f: {  	v48 =	vld [tilespmem:$0x140];
	[tilespmem:$0x20] =	vst v63;
	v3 =	vadd.s32 v0, v3  }
0x20: {  	v1 =	vadd.s32 v0, v1;
	[tilespmem:$0x180] =	vst v3;
	v3 =	vld [tilespmem:$0x110]  }
0x21: {  	v4 =	vadd.s32 v0, v47;
	[tilespmem:$0x170] =	vst v1;
	v1 =	vld [tilespmem:$0x100]  }
0x22: {  	v52 =	vld [tilespmem:$0xD0];
	[tilespmem:$0x160] =	vst v4;
	v2 =	vadd.s32 v0, v2  }
0x23: {  	v51 =	vld [tilespmem:$0xE0];
	[tilespmem:$0x150] =	vst v2;
	v2 =	vadd.s32 v0, v49  }
0x24: {  	v5 =	vadd.s32 v0, v48;
	[tilespmem:$0xB0] =	vst v2;
	v2 =	vld [tilespmem:$0xC0]  }
0x25: {  	v55 =	vld [tilespmem:$0xA0];
	[tilespmem:$0x140] =	vst v5;
	v3 =	vadd.s32 v0, v3  }
0x26: {  	v1 =	vadd.s32 v0, v1;
	[tilespmem:$0x110] =	vst v3;
	v3 =	vld [tilespmem:$0x90]  }
0x27: {  	v6 =	vadd.s32 v0, v52;
	[tilespmem:$0x100] =	vst v1;
	v1 =	vld [tilespmem:$0x80]  }
0x28: {  	v58 =	vld [tilespmem:$0x50];
	v4 =	vadd.s32 v0, v51;
	[tilespmem:$0xD0] =	vst v6  }
0x29: {  	v56 =	vld [tilespmem:$0x60];
	[tilespmem:$0xE0] =	vst v4;
	v2 =	vadd.s32 v0, v2  }
0x2a: {  	v5 =	vadd.s32 v0, v55;
	[tilespmem:$0xC0] =	vst v2;
	v2 =	vld [tilespmem:$0x40]  }
0x2b: {  	v59 =	vld [tilespmem:$0x1A0];
	[tilespmem:$0xA0] =	vst v5;
	v3 =	vadd.s32 v0, v3  }
0x2c: {  	v1 =	vadd.s32 v0, v1;
	[tilespmem:$0x90] =	vst v3;
	v3 =	vld [tilespmem:$0x10]  }
0x2d: {  	v61 =	vld [tilespmem:$0xF0];
	[tilespmem:$0x80] =	vst v1;
	v1 =	vadd.s32 v0, v58  }
0x2e: {  	v4 =	vadd.s32 v0, v56;
	[tilespmem:$0x50] =	vst v1;
	v1 =	vld [tilespmem:$0x70]  }
0x2f: {  	v62 =	vld [tilespmem:$0x0];
	[tilespmem:$0x60] =	vst v4;
	v2 =	vadd.s32 v0, v2  }
0x30: {  	[tilespmem:$0x40] =	vst v2;
	v2 =	vadd.s32 v0, v59  }
0x31: {  	[tilespmem:$0x1A0] =	vst v2;
	v2 =	vadd.s32 v0, v3  }
0x32: {  	[tilespmem:$0x10] =	vst v2;
	v2 =	vadd.s32 v0, v61  }
0x33: {  	v1 =	vadd.s32 v0, v1;
	[tilespmem:$0xF0] =	vst v2  }
0x34: {  	v2 =	vadd.s32 v0, v62;
	[tilespmem:$0x70] =	vst v1  }
0x35: {  	s9 =	simm.s32 $0x2;
	[tilespmem:$0x0] =	vst v2  }
0x36: {  	s14 =	simm.s32 $0x200;
	s15 =	simm.s32 $0x80;
	_ =	swait.ge [sflag:s9], $0x20  }
0x37: {  	s18 =	simm.s32 $0x2200;
	s25 =	simm.s32 $0xC0;
	[sflag:s9] =	ssyncset.done $0x0  }
0x38: {  	s13 =	ssub.s32 $0x2, s10;
	s10 =	simm.s32 $0x40;
	[sflag:s9] =	ssyncadd.s32 $0xFFFFFFE0  }
0x39: {  	[tilespmem:s14], [sflag:$0x2] =	stream.indirect.gather [spmem:s3], $0x80, s2, s10, $0xb8;
	[tilespmem:$0x10300] =	vst v63  }
0x3a: {  	s22 =	simm.s32 $0x6200;
	s24 =	simm.s32 $0x140;
	s17 =	sshrl.u32 s13, $0x1  }
0x3b: {  	[tilespmem:s18], [sflag:$0x2] =	stream.indirect.gather [spmem:s3], $0x80, s10, s15, $0xb8;
	[tilespmem:$0x10300] =	vst v63  }
0x3c: {  	s12 =	sshll.u32 s12, $0xD;
	s31 =	ssub.s32 s13, s17;
	_ =	swait.ge [sflag:s9], $0x2000  }
0x3d: {  	s16 =	sadd.s32 s11, s12;
	s12 =	smax.u32 s31, $0x1;
	[sflag:s9] =	ssyncset.done $0x0  }
0x3e: {  	s21 =	simm.s32 $0xA200;
	p0 =	sne.s32 s12, $0x1;
	[sflag:s9] =	ssyncadd.s32 $0xFFFFE000  }
0x3f: {  	[hbm4b:s16+s2] =	stream.linear.scatter [tilespmem:s14], [sflag:$0x3], $0x2000, $0x38;
	[tilespmem:$0x10300] =	vst v63  }
.Ltmp0:
0x40: {  	s23 =	simm.s32 $0x1C0;
	s20 =	simm.s32 $0xE200;
	(pc) =	sbr.rel @!p0 .LBB2_2-.Ltmp0, $4  }
0x41: {  	[tilespmem:s22], [sflag:$0x2] =	stream.indirect.gather [spmem:s3], $0x80, s25, s15, $0xb8;
	[tilespmem:$0x10300] =	vst v63  }
0x42: {  	s19 =	sadd.s32 $0x400, s16;
	s17 =	sadd.s32 $0xC00, s16;
	_ =	swait.ge [sflag:s9], $0x4000  }
0x43: {  	s13 =	sadd.s32 $0x1400, s16;
	s11 =	sadd.s32 $0x1C00, s16;
	[sflag:s9] =	ssyncset.done $0x0  }
0x44: {  	s26 =	sadd.s32 $0xFFFFFFFF, s12;
	s12 =	simm.s32 $0x3;
	[sflag:s9] =	ssyncadd.s32 $0xFFFFC000  }
.LBB2_1:
0x45: {  	[hbm4b:s19+s2] =	stream.linear.scatter [tilespmem:s18], [sflag:$0x3], $0x4000, $0x38;
	[tilespmem:$0x10300] =	vst v63  }
0x46: {  	p0 =	sne.s32 s26, $0x1;
	s26 =	sadd.s32 $0xFFFFFFFF, s26  }
0x47: {  	[tilespmem:s21], [sflag:$0x2] =	stream.indirect.gather [spmem:s3], $0x80, s24, s15, $0xb8;
	[tilespmem:$0x10300] =	vst v63  }
0x48: {  	_ =	swait.ge [sflag:s9], $0x4000  }
0x49: {  	[sflag:s9] =	ssyncset.done $0x0  }
0x4a: {  	[sflag:s9] =	ssyncadd.s32 $0xFFFFC000  }
0x4b: {  	[hbm4b:s17+s2] =	stream.linear.scatter [tilespmem:s22], [sflag:$0x3], $0x4000, $0x38;
	[tilespmem:$0x10300] =	vst v63  }
0x4c: {  	_ = 	snop  }
0x4d: {  	[tilespmem:s20], [sflag:$0x2] =	stream.indirect.gather [spmem:s3], $0x80, s23, s10, $0xb8;
	[tilespmem:$0x10300] =	vst v63  }
0x4e: {  	_ =	swait.ge [sflag:s9], $0x4000  }
0x4f: {  	[sflag:s9] =	ssyncset.done $0x0  }
0x50: {  	[sflag:s9] =	ssyncadd.s32 $0xFFFFC000  }
0x51: {  	[hbm4b:s13+s2] =	stream.linear.scatter [tilespmem:s21], [sflag:$0x3], $0x4000, $0x38;
	[tilespmem:$0x10300] =	vst v63  }
0x52: {  	_ =	swait.ge [sflag:s9], $0x2000  }
0x53: {  	[sflag:s9] =	ssyncset.done $0x0  }
0x54: {  	[sflag:s9] =	ssyncadd.s32 $0xFFFFE000  }
0x55: {  	[hbm4b:s11+s2] =	stream.linear.scatter [tilespmem:s20], [sflag:$0x3], $0x2000, $0x38;
	[tilespmem:$0x10300] =	vst v63  }
0x56: {  	_ =	swait.ge [sflag:s12], $0x2000  }
0x57: {  	[sflag:s12] =	ssyncset.done $0x0  }
0x58: {  	[sflag:s12] =	ssyncadd.s32 $0xFFFFE000  }
0x59: {  	_ =	swait.ge [sflag:s12], $0x4000  }
0x5a: {  	[sflag:s12] =	ssyncset.done $0x0  }
0x5b: {  	[sflag:s12] =	ssyncadd.s32 $0xFFFFC000  }
0x5c: {  	_ =	swait.ge [sflag:s12], $0x4000  }
0x5d: {  	[sflag:s12] =	ssyncset.done $0x0  }
0x5e: {  	[sflag:s12] =	ssyncadd.s32 $0xFFFFC000  }
0x5f: {  	_ =	swait.ge [sflag:s12], $0x4000  }
0x60: {  	[sflag:s12] =	ssyncset.done $0x0  }
0x61: {  	[sflag:s12] =	ssyncadd.s32 $0xFFFFC000  }
0x62: {  	_ =	swait.ge [sflag:s12], $0x2000  }
0x63: {  	[sflag:s12] =	ssyncset.done $0x0  }
0x64: {  	[sflag:s12] =	ssyncadd.s32 $0xFFFFE000  }
0x65: {  	[tilespmem:s2], [sflag:$0x1] =	stream.linear.gather [hbm4b:s5+s2], $0x200, $0x38;
	[tilespmem:$0x10300] =	vst v63  }
0x66: {  	[spmem:s7], [sflag:s6] =	dma.local [hbm:s4], $0x20  }
0x67: {  	_ =	swait.ge [sflag:s8], $0x200  }
0x68: {  	[sflag:s8] =	ssyncset.done $0x0  }
0x69: {  	[sflag:s8] =	ssyncadd.s32 $0xFFFFFE00  }
0x6a: {  	v1 =	vld [tilespmem:$0x1F0]  }
0x6b: {  	v2 =	vld [tilespmem:$0x1E0]  }
0x6c: {  	v3 =	vld [tilespmem:$0x130]  }
0x6d: {  	v4 =	vld [tilespmem:$0x1D0]  }
0x6e: {  	v5 =	vld [tilespmem:$0x1C0]  }
0x6f: {  	v6 =	vld [tilespmem:$0x1B0];
	v1 =	vadd.s32 v0, v1  }
0x70: {  	v7 =	vld [tilespmem:$0x190];
	v2 =	vadd.s32 v0, v2;
	[tilespmem:$0x1F0] =	vst v1  }
0x71: {  	v1 =	vadd.s32 v0, v3;
	v3 =	vld [tilespmem:$0x180];
	[tilespmem:$0x1E0] =	vst v2  }
0x72: {  	[tilespmem:$0x130] =	vst v1;
	v1 =	vld [tilespmem:$0x170];
	v2 =	vadd.s32 v0, v4  }
0x73: {  	v4 =	vld [tilespmem:$0x160];
	v5 =	vadd.s32 v0, v5;
	[tilespmem:$0x1D0] =	vst v2  }
0x74: {  	v2 =	vld [tilespmem:$0x150];
	v6 =	vadd.s32 v0, v6;
	[tilespmem:$0x1C0] =	vst v5  }
0x75: {  	v5 =	vld [tilespmem:$0x140];
	v7 =	vadd.s32 v0, v7;
	[tilespmem:$0x1B0] =	vst v6  }
0x76: {  	v6 =	vld [tilespmem:$0xB0];
	v3 =	vadd.s32 v0, v3;
	[tilespmem:$0x190] =	vst v7  }
0x77: {  	v7 =	vld [tilespmem:$0x120];
	v1 =	vadd.s32 v0, v1;
	[tilespmem:$0x180] =	vst v3  }
0x78: {  	v3 =	vld [tilespmem:$0x110];
	v4 =	vadd.s32 v0, v4;
	[tilespmem:$0x170] =	vst v1  }
0x79: {  	v1 =	vld [tilespmem:$0x100];
	v2 =	vadd.s32 v0, v2;
	[tilespmem:$0x160] =	vst v4  }
0x7a: {  	v4 =	vld [tilespmem:$0xE0];
	v5 =	vadd.s32 v0, v5;
	[tilespmem:$0x150] =	vst v2  }
0x7b: {  	v2 =	vadd.s32 v0, v6;
	v6 =	vld [tilespmem:$0xD0];
	[tilespmem:$0x140] =	vst v5  }
0x7c: {  	[tilespmem:$0xB0] =	vst v2;
	v2 =	vld [tilespmem:$0xC0];
	v5 =	vadd.s32 v0, v7  }
0x7d: {  	v7 =	vld [tilespmem:$0x30];
	v3 =	vadd.s32 v0, v3;
	[tilespmem:$0x120] =	vst v5  }
0x7e: {  	v5 =	vld [tilespmem:$0xA0];
	v1 =	vadd.s32 v0, v1;
	[tilespmem:$0x110] =	vst v3  }
0x7f: {  	v3 =	vld [tilespmem:$0x90];
	v4 =	vadd.s32 v0, v4;
	[tilespmem:$0x100] =	vst v1  }
0x80: {  	v1 =	vld [tilespmem:$0x80];
	v6 =	vadd.s32 v0, v6;
	[tilespmem:$0xE0] =	vst v4  }
0x81: {  	v4 =	vld [tilespmem:$0x60];
	v2 =	vadd.s32 v0, v2;
	[tilespmem:$0xD0] =	vst v6  }
0x82: {  	v6 =	vadd.s32 v0, v7;
	v7 =	vld [tilespmem:$0x50];
	[tilespmem:$0xC0] =	vst v2  }
0x83: {  	[tilespmem:$0x30] =	vst v6;
	v2 =	vld [tilespmem:$0x40];
	v5 =	vadd.s32 v0, v5  }
0x84: {  	v3 =	vadd.s32 v0, v3;
	[tilespmem:$0xA0] =	vst v5;
	v5 =	vld [tilespmem:$0x1A0]  }
0x85: {  	v6 =	vld [tilespmem:$0x20];
	v1 =	vadd.s32 v0, v1;
	[tilespmem:$0x90] =	vst v3  }
0x86: {  	v3 =	vld [tilespmem:$0x10];
	v4 =	vadd.s32 v0, v4;
	[tilespmem:$0x80] =	vst v1  }
0x87: {  	v1 =	vadd.s32 v0, v7;
	[tilespmem:$0x60] =	vst v4;
	v4 =	vld [tilespmem:$0xF0]  }
0x88: {  	v2 =	vadd.s32 v0, v2;
	[tilespmem:$0x50] =	vst v1;
	v1 =	vld [tilespmem:$0x70]  }
0x89: {  	v7 =	vld [tilespmem:$0x0];
	[tilespmem:$0x40] =	vst v2;
	v2 =	vadd.s32 v0, v5  }
0x8a: {  	v5 =	vadd.s32 v0, v6;
	[tilespmem:$0x1A0] =	vst v2  }
0x8b: {  	v2 =	vadd.s32 v0, v3;
	[tilespmem:$0x20] =	vst v5  }
0x8c: {  	[tilespmem:$0x10] =	vst v2;
	v2 =	vadd.s32 v0, v4  }
0x8d: {  	v1 =	vadd.s32 v0, v1;
	[tilespmem:$0xF0] =	vst v2  }
0x8e: {  	v2 =	vadd.s32 v0, v7;
	[tilespmem:$0x70] =	vst v1  }
0x8f: {  	[tilespmem:$0x0] =	vst v2  }
0x90: {  	_ =	swait.ge [sflag:s9], $0x20  }
0x91: {  	[sflag:s9] =	ssyncset.done $0x0  }
0x92: {  	[sflag:s9] =	ssyncadd.s32 $0xFFFFFFE0  }
0x93: {  	[tilespmem:s14], [sflag:$0x2] =	stream.indirect.gather [spmem:s3], $0x80, s2, s10, $0xb8;
	[tilespmem:$0x10300] =	vst v63  }
0x94: {  	_ = 	snop  }
0x95: {  	[tilespmem:s18], [sflag:$0x2] =	stream.indirect.gather [spmem:s3], $0x80, s10, s15, $0xb8;
	[tilespmem:$0x10300] =	vst v63  }
0x96: {  	_ =	swait.ge [sflag:s9], $0x2000  }
0x97: {  	[sflag:s9] =	ssyncset.done $0x0  }
0x98: {  	[sflag:s9] =	ssyncadd.s32 $0xFFFFE000  }
0x99: {  	[hbm4b:s16+s2] =	stream.linear.scatter [tilespmem:s14], [sflag:$0x3], $0x2000, $0x38;
	[tilespmem:$0x10300] =	vst v63  }
.Ltmp1:
0x9a: {  	(pc) =	sbr.rel @p0 .LBB2_1-.Ltmp1, $4  }
0x9b: {  	[tilespmem:s22], [sflag:$0x2] =	stream.indirect.gather [spmem:s3], $0x80, s25, s15, $0xb8;
	[tilespmem:$0x10300] =	vst v63  }
0x9c: {  	_ =	swait.ge [sflag:s9], $0x4000  }
0x9d: {  	[sflag:s9] =	ssyncset.done $0x0  }
0x9e: {  	[sflag:s9] =	ssyncadd.s32 $0xFFFFC000  }
.LBB2_2:
0x9f: {  	[hbm4b:s19+s2] =	stream.linear.scatter [tilespmem:s18], [sflag:$0x3], $0x4000, $0x38;
	[tilespmem:$0x10300] =	vst v63  }
0xa0: {  	_ = 	snop  }
0xa1: {  	[tilespmem:s21], [sflag:$0x2] =	stream.indirect.gather [spmem:s3], $0x80, s24, s15, $0xb8;
	[tilespmem:$0x10300] =	vst v63  }
0xa2: {  	_ =	swait.ge [sflag:s9], $0x4000  }
0xa3: {  	[sflag:s9] =	ssyncset.done $0x0  }
0xa4: {  	[sflag:s9] =	ssyncadd.s32 $0xFFFFC000  }
0xa5: {  	[hbm4b:s17+s2] =	stream.linear.scatter [tilespmem:s22], [sflag:$0x3], $0x4000, $0x38;
	[tilespmem:$0x10300] =	vst v63  }
0xa6: {  	_ = 	snop  }
0xa7: {  	[tilespmem:s20], [sflag:$0x2] =	stream.indirect.gather [spmem:s3], $0x80, s23, s10, $0xb8;
	[tilespmem:$0x10300] =	vst v63  }
0xa8: {  	_ =	swait.ge [sflag:s9], $0x4000  }
0xa9: {  	[sflag:s9] =	ssyncset.done $0x0  }
0xaa: {  	[sflag:s9] =	ssyncadd.s32 $0xFFFFC000  }
0xab: {  	[hbm4b:s13+s2] =	stream.linear.scatter [tilespmem:s21], [sflag:$0x3], $0x4000, $0x38;
	[tilespmem:$0x10300] =	vst v63  }
0xac: {  	_ =	swait.ge [sflag:s9], $0x2000  }
0xad: {  	[sflag:s9] =	ssyncset.done $0x0  }
0xae: {  	[sflag:s9] =	ssyncadd.s32 $0xFFFFE000  }
0xaf: {  	[hbm4b:s11+s2] =	stream.linear.scatter [tilespmem:s20], [sflag:$0x3], $0x2000, $0x38;
	[tilespmem:$0x10300] =	vst v63  }
0xb0: {  	_ =	swait.ge [sflag:s12], $0x2000  }
0xb1: {  	[sflag:s12] =	ssyncset.done $0x0  }
0xb2: {  	[sflag:s12] =	ssyncadd.s32 $0xFFFFE000  }
0xb3: {  	_ =	swait.ge [sflag:s12], $0x4000  }
0xb4: {  	[sflag:s12] =	ssyncset.done $0x0  }
0xb5: {  	[sflag:s12] =	ssyncadd.s32 $0xFFFFC000  }
0xb6: {  	_ =	swait.ge [sflag:s12], $0x4000  }
0xb7: {  	[sflag:s12] =	ssyncset.done $0x0  }
0xb8: {  	[sflag:s12] =	ssyncadd.s32 $0xFFFFC000  }
0xb9: {  	_ =	swait.ge [sflag:s12], $0x4000  }
0xba: {  	[sflag:s12] =	ssyncset.done $0x0  }
0xbb: {  	[sflag:s12] =	ssyncadd.s32 $0xFFFFC000  }
0xbc: {  	_ =	swait.ge [sflag:s12], $0x2000  }
0xbd: {  	[sflag:s12] =	ssyncset.done $0x0  }
0xbe: {  	[sflag:s12] =	ssyncadd.s32 $0xFFFFE000  }
0xbf: {  	_ =	sfence.sel $0x180000  }
0xc0: {  	[bflag:$0x0] =	sbarrier.arrive $0xFFFF  }
0xc1: {  	p0 =	sne.s32 s1, $0x0;
	_ =	strace $0x90000047  }
0xc2: {  	s0 =	sadd.s32 @!p0 $0x100000, s0;
	[bflag:$0x2] =	sbarrier.arrive $0xFFFF  }
0xc3: {  	[sflag:s0] =	ssyncadd.tile.s32 @!p0 $0x1;
	_ =	shalt  }
.Lfunc_end2:
_tile_overlayer_lowered:
.L_overlay_start_2:
0xc4: {  	(tag) =	ssettag $0x2  }
0xc5: {  	s0 =	rddreg [dreg:$0x0];
	s2 =	stileid.u32  }
0xc6: {  	s1 =	rddreg [dreg:$0x1];
	p0 =	sne.s32 s2, $0x0  }
0xc7: {  	s3 =	rddreg [dreg:$0x2];
	[bflag:$0x3] =	sbarrier.arrive $0xFFFF;
	s2 =	simm.s32 @!p0 $0x1C04  }
0xc8: {  	[timem:s3], [sflag:s2] =	dma.local @!p0 [hbm:s0], s1  }
0xc9: {  	s0 =	simm.s32 @!p0 $0x4  }
0xca: {  	_ =	swait.ge @!p0 [sflag:s0], s1  }
0xcb: {  	s1 =	ssub.s32 @!p0 $0x0, s1;
	[sflag:s0] =	ssyncset.done @!p0 $0x0  }
0xcc: {  	[sflag:s0] =	ssyncadd.s32 @!p0 s1  }
0xcd: {  	[bflag:$0x3] =	sbarrier.arrive $0xFFFF  }
0xce: {  	_ =	shalt  }

</sc_bundles>
